<compile_context>
chip_gen: v7x
topology: tpu7x:2x2x1
jax: 0.10.2.dev20260603
libtpu: 0.0.44.dev20260713+nightly
codegen_flags: <defaults>
</compile_context>

<pallas_src>
import functools

import jax
import jax.numpy as jnp
from jax import lax
from jax.experimental import pallas as pl
from jax.experimental.pallas import tpu as pltpu
from jax.experimental.pallas import tpu_sc as plsc

N_NODES = 10000
N_PAD = 10240
N_EDGES = 320000
NC = 2
NS = 16
NW = NC * NS
E_PER_W = N_EDGES // NW
CHUNK = 128
N_FULL = E_PER_W // CHUNK
TAIL = E_PER_W - N_FULL * CHUNK
ROWS_PER_TILE = N_PAD // NS
ZROWS = 128

_MESH = dict(core_axis_name="c", subcore_axis_name="s")
_SC_PARAMS = pltpu.CompilerParams(use_tc_tiling_on_sc=False)


def _wid():
    return lax.axis_index("s") * NC + lax.axis_index("c")


def _zero_fill(zbuf, ncols):
    zero = jnp.zeros((16,), jnp.float32)

    def body(j, _):
        for c in range(ncols // 16):
            zbuf[j, pl.ds(c * 16, 16)] = zero
        return 0

    lax.fori_loop(0, ZROWS, body, 0)


def _zero_acc_stripe(zbuf, acc_sh, sid):
    base = sid * ROWS_PER_TILE
    for k in range(ROWS_PER_TILE // ZROWS):
        pltpu.sync_copy(zbuf, acc_sh.at[pl.ds(base + k * ZROWS, ZROWS)])


def _write_stripe(acc_sh, out_hbm, cid, sid, d):
    base = sid * ROWS_PER_TILE
    pltpu.sync_copy(acc_sh.at[pl.ds(base, ROWS_PER_TILE)],
                    out_hbm.at[pl.ds(base, ROWS_PER_TILE), pl.ds(d * cid, d)])


@functools.partial(
    pl.kernel,
    mesh=plsc.VectorSubcoreMesh(**_MESH),
    out_type=jax.ShapeDtypeStruct((N_PAD, 128), jnp.float32),
    scratch_types=[
        pltpu.VMEM((E_PER_W,), jnp.int32),
        pltpu.VMEM((CHUNK, 16), jnp.float32),
        pltpu.VMEM((ZROWS, 16), jnp.float32),
        pltpu.VMEM_SHARED((N_PAD, 16), jnp.float32),
    ],
    compiler_params=_SC_PARAMS,
)
def _deg(edges_hbm, out_hbm, dst_v, ones_v, zbuf, acc_sh):
    cid = lax.axis_index("c")
    sid = lax.axis_index("s")
    pltpu.sync_copy(edges_hbm.at[1, pl.ds(_wid() * E_PER_W, E_PER_W)], dst_v)

    one = jnp.full((16,), 1.0, jnp.float32)

    def fill(j, _):
        ones_v[j, :] = one
        return 0

    lax.fori_loop(0, CHUNK, fill, 0)
    _zero_fill(zbuf, 16)
    _zero_acc_stripe(zbuf, acc_sh, sid)
    plsc.subcore_barrier()

    def chunk(j, _):
        pltpu.sync_copy(ones_v, acc_sh.at[dst_v.at[pl.ds(j * CHUNK, CHUNK)]],
                        add=True)
        return 0

    lax.fori_loop(0, N_FULL, chunk, 0)
    pltpu.sync_copy(ones_v.at[pl.ds(0, TAIL)],
                    acc_sh.at[dst_v.at[pl.ds(N_FULL * CHUNK, TAIL)]],
                    add=True)
    plsc.subcore_barrier()
    _write_stripe(acc_sh, out_hbm, cid, sid, 16)


def _make_agg(d):
    @functools.partial(
        pl.kernel,
        mesh=plsc.VectorSubcoreMesh(**_MESH),
        out_type=jax.ShapeDtypeStruct((N_PAD, 128), jnp.float32),
        scratch_types=[
            pltpu.VMEM((E_PER_W,), jnp.int32),
            pltpu.VMEM((E_PER_W,), jnp.int32),
            pltpu.VMEM((CHUNK, d), jnp.float32),
            pltpu.VMEM((CHUNK, d), jnp.float32),
            pltpu.VMEM((ZROWS, d), jnp.float32),
            pltpu.VMEM_SHARED((N_PAD, d), jnp.float32),
            pltpu.SemaphoreType.DMA,
            pltpu.SemaphoreType.DMA,
        ],
        compiler_params=_SC_PARAMS,
    )
    def agg(hs_hbm, edges_hbm, out_hbm, src_v, dst_v, rows0, rows1,
            zbuf, acc_sh, sem0, sem1):
        cid = lax.axis_index("c")
        sid = lax.axis_index("s")
        base_e = _wid() * E_PER_W
        pltpu.sync_copy(edges_hbm.at[0, pl.ds(base_e, E_PER_W)], src_v)
        pltpu.sync_copy(edges_hbm.at[1, pl.ds(base_e, E_PER_W)], dst_v)
        _zero_fill(zbuf, d)
        _zero_acc_stripe(zbuf, acc_sh, sid)
        plsc.subcore_barrier()

        def gather(j, n, buf, sem):
            pltpu.async_copy(hs_hbm.at[src_v.at[pl.ds(j * CHUNK, n)]],
                             buf, sem)

        def wait(j, n, buf, sem):
            pltpu.make_async_copy(hs_hbm.at[src_v.at[pl.ds(j * CHUNK, n)]],
                                  buf, sem).wait()

        def scat(j, n, buf):
            pltpu.sync_copy(buf, acc_sh.at[dst_v.at[pl.ds(j * CHUNK, n)]],
                            add=True)

        gather(0, CHUNK, rows0, sem0)
        gather(1, CHUNK, rows1, sem1)

        def pair(jj, _):
            j0 = 2 * jj
            j1 = j0 + 1
            wait(j0, CHUNK, rows0, sem0)
            scat(j0, CHUNK, rows0)
            gather(j0 + 2, CHUNK, rows0, sem0)
            wait(j1, CHUNK, rows1, sem1)
            scat(j1, CHUNK, rows1)
            gather(j1 + 2, CHUNK, rows1, sem1)
            return 0

        lax.fori_loop(0, N_FULL // 2 - 1, pair, 0)
        t0 = N_FULL - 2
        wait(t0, CHUNK, rows0, sem0)
        scat(t0, CHUNK, rows0)
        tail_buf = rows1
        wait(t0 + 1, CHUNK, rows1, sem1)
        scat(t0 + 1, CHUNK, rows1)
        pltpu.async_copy(hs_hbm.at[src_v.at[pl.ds(N_FULL * CHUNK, TAIL)]],
                         tail_buf.at[pl.ds(0, TAIL)], sem0)
        pltpu.make_async_copy(hs_hbm.at[src_v.at[pl.ds(N_FULL * CHUNK, TAIL)]],
                              tail_buf.at[pl.ds(0, TAIL)], sem0).wait()
        pltpu.sync_copy(tail_buf.at[pl.ds(0, TAIL)],
                        acc_sh.at[dst_v.at[pl.ds(N_FULL * CHUNK, TAIL)]],
                        add=True)

        plsc.subcore_barrier()
        _write_stripe(acc_sh, out_hbm, cid, sid, d)

    return agg


_agg64 = _make_agg(64)
_agg32 = _make_agg(32)


BLK = 2000
_GRID = N_NODES // BLK


def _row_spec(cols):
    return pl.BlockSpec((BLK, cols), lambda i: (i, 0))


def _full_spec(r, c):
    return pl.BlockSpec((r, c), lambda i: (0, 0))


def _mm1_body(x_ref, w1_ref, degp_ref, hs_ref, dinv_ref):
    deg = degp_ref[:, 0:1] + degp_ref[:, 16:17] + 1.0
    dinv = lax.rsqrt(deg)
    h = jnp.dot(x_ref[...], w1_ref[...], preferred_element_type=jnp.float32)
    hs_ref[...] = h * dinv
    dinv_ref[...] = dinv


def _mm2_body(aggp_ref, hs1_ref, dinv_ref, b1_ref, w2_ref, hs2_ref):
    dinv = dinv_ref[...]
    agg = aggp_ref[:, 0:64] + aggp_ref[:, 64:128] + hs1_ref[...]
    x2 = jnp.maximum(dinv * agg + b1_ref[...], 0.0)
    hs2_ref[...] = dinv * jnp.dot(x2, w2_ref[...],
                                  preferred_element_type=jnp.float32)


def _mm3_body(aggp_ref, hs2_ref, dinv_ref, b2_ref, fcw_ref, fcb_ref,
              emb_ref, log_ref):
    dinv = dinv_ref[...]
    agg = aggp_ref[:, 0:32] + aggp_ref[:, 32:64] + hs2_ref[...]
    emb = jnp.maximum(dinv * agg + b2_ref[...], 0.0)
    emb_ref[...] = emb
    log_ref[...] = jnp.dot(emb, fcw_ref[...],
                           preferred_element_type=jnp.float32) + fcb_ref[...]


@jax.jit
def kernel(x, edge_index, W1, b1, W2, b2, fcW, fcb):
    edges = edge_index.astype(jnp.int32)

    degp = _deg(edges)

    hs1, dinv = pl.pallas_call(
        _mm1_body,
        grid=(_GRID,),
        in_specs=[_row_spec(128), _full_spec(128, 64), _row_spec(128)],
        out_specs=[_row_spec(64), _row_spec(1)],
        out_shape=[
            jax.ShapeDtypeStruct((N_NODES, 64), jnp.float32),
            jax.ShapeDtypeStruct((N_NODES, 1), jnp.float32),
        ],
    )(x, W1, degp)

    aggp1 = _agg64(hs1, edges)

    hs2 = pl.pallas_call(
        _mm2_body,
        grid=(_GRID,),
        in_specs=[_row_spec(128), _row_spec(64), _row_spec(1),
                  _full_spec(1, 64), _full_spec(64, 32)],
        out_specs=_row_spec(32),
        out_shape=jax.ShapeDtypeStruct((N_NODES, 32), jnp.float32),
    )(aggp1, hs1, dinv, b1.reshape(1, -1), W2)

    aggp2 = _agg32(hs2, edges)

    emb, logits = pl.pallas_call(
        _mm3_body,
        grid=(_GRID,),
        in_specs=[_row_spec(128), _row_spec(32), _row_spec(1),
                  _full_spec(1, 32), _full_spec(32, 40), _full_spec(1, 40)],
        out_specs=[_row_spec(32), _row_spec(40)],
        out_shape=[
            jax.ShapeDtypeStruct((N_NODES, 32), jnp.float32),
            jax.ShapeDtypeStruct((N_NODES, 40), jnp.float32),
        ],
    )(aggp2, hs2, dinv, b2.reshape(1, -1), fcW, fcb.reshape(1, -1))

    return emb, logits

# --- scband reference (transcript-rebuilt; emitter-appended) ---
"""Pipeline reference for scband-gcn-5686536700269 (READ-ONLY COPY).

The authoritative reference and input builder live on the scoring server;
editing this copy changes nothing except your own understanding.
"""

import jax, jax.numpy as jnp
import numpy as np

N_NODES = 10000
N_EDGES = 320000
IN_DIM = 128
HID = [64, 32]
OUT_DIM = 40


def setup_inputs(seed: int = 0) -> dict:
    key = jax.random.key(seed)
    ks = jax.random.split(key, 9)
    x = jax.random.normal(ks[0], (N_NODES, IN_DIM), dtype=jnp.float32)
    edge_index = jax.random.randint(ks[1], (2, N_EDGES), 0, N_NODES, dtype=jnp.int64)
    W1 = jax.random.normal(ks[2], (IN_DIM, HID[0]), dtype=jnp.float32) * (1.0 / np.sqrt(IN_DIM))
    b1 = jnp.zeros((HID[0],), dtype=jnp.float32)
    W2 = jax.random.normal(ks[3], (HID[0], HID[1]), dtype=jnp.float32) * (1.0 / np.sqrt(HID[0]))
    b2 = jnp.zeros((HID[1],), dtype=jnp.float32)
    fcW = jax.random.normal(ks[4], (HID[1], OUT_DIM), dtype=jnp.float32) * (1.0 / np.sqrt(HID[1]))
    fcb = jnp.zeros((OUT_DIM,), dtype=jnp.float32)
    return {"x": x, "edge_index": edge_index, "W1": W1, "b1": b1, "W2": W2, "b2": b2, "fcW": fcW, "fcb": fcb}


def _gcn_conv(x, edge_index, W, b, num_nodes):
    # GCNConv: x' = D^{-1/2} (A + I) D^{-1/2} X W + b
    src = edge_index[0]
    dst = edge_index[1]
    loop = jnp.arange(num_nodes, dtype=edge_index.dtype)
    src = jnp.concatenate([src, loop])
    dst = jnp.concatenate([dst, loop])
    deg = jax.ops.segment_sum(jnp.ones_like(dst, dtype=x.dtype), dst, num_segments=num_nodes)
    dinv = jnp.where(deg > 0, deg ** -0.5, 0.0)
    norm = dinv[src] * dinv[dst]
    h = x @ W
    msg = h[src] * norm[:, None]
    out = jax.ops.segment_sum(msg, dst, num_segments=num_nodes)
    return out + b


def reference(x, edge_index, W1, b1, W2, b2, fcW, fcb):
    n = x.shape[0]
    h = jax.nn.relu(_gcn_conv(x, edge_index, W1, b1, n))
    h = jax.nn.relu(_gcn_conv(h, edge_index, W2, b2, n))
    embedding = h
    logits = h @ fcW + fcb
    return (embedding, logits)

if __name__ == "__main__":
    import jax
    _d = setup_inputs()
    print(jax.jit(kernel)(*tuple(_d.values())))

</pallas_src>

<mosaic_0001>
#map = affine_map<(d0, d1) -> (0, 0)>
module attributes {stable_mosaic.version = 14 : i64} {
  func.func @agg(%arg0: i32, %arg1: i32, %arg2: memref<10000x64xf32, #tpu.memory_space<hbm>>, %arg3: memref<2x320000xi32, #tpu.memory_space<hbm>>, %arg4: memref<10240x128xf32, #tpu.memory_space<hbm>>, %arg5: memref<10000xi32, #tpu.memory_space<vmem>>, %arg6: memref<10000xi32, #tpu.memory_space<vmem>>, %arg7: memref<128x64xf32, #tpu.memory_space<vmem>>, %arg8: memref<128x64xf32, #tpu.memory_space<vmem>>, %arg9: memref<128x64xf32, #tpu.memory_space<vmem>>, %arg10: memref<10240x64xf32, #tpu.memory_space<vmem_shared>>, %arg11: memref<!tpu.dma_semaphore, #tpu.memory_space<semaphore_mem>>, %arg12: memref<!tpu.dma_semaphore, #tpu.memory_space<semaphore_mem>>) attributes {dimension_semantics = [#tpu.dimension_semantics<core_parallel>, #tpu.dimension_semantics<subcore_parallel>], iteration_bounds = array<i64: 2, 16>, scalar_prefetch = 0 : i64, scratch_operands = 8 : i64, tpu.core_type = #tpu.core_type<sc_vector_subcore>, window_params = [{transform_indices = #map}, {transform_indices = #map}, {transform_indices = #map}]} {
    %mul3A = arith.constant 2 : i32
    %mul3A_0 = arith.muli %arg1, %mul3A : i32
    %add3A = arith.addi %mul3A_0, %arg0 : i32
    %mul3A_1 = arith.constant 10000 : i32
    %mul3A_2 = arith.muli %add3A, %mul3A_1 : i32
    %run_scoped3A = arith.constant 0 : i32
    "tpu.region"() ({
      %run_scoped3A_69 = tpu.sem_alloc : memref<!tpu.dma_semaphore, #tpu.memory_space<semaphore_mem>>
      %dma_start3A_70 = tpu.memref_slice %arg3[%run_scoped3A, %mul3A_2] : memref<2x320000xi32, #tpu.memory_space<hbm>> -> memref<1x10000xi32, #tpu.memory_space<hbm>>
      %dma_start3A_71 = tpu.memref_squeeze %dma_start3A_70 : memref<1x10000xi32, #tpu.memory_space<hbm>> -> memref<10000xi32, #tpu.memory_space<hbm>>
      %dma_start3A_72 = tpu.memref_slice %arg3[%run_scoped3A, %mul3A_2] : memref<2x320000xi32, #tpu.memory_space<hbm>> -> memref<1x10000xi32, #tpu.memory_space<hbm>>
      %dma_start3A_73 = tpu.memref_squeeze %dma_start3A_72 : memref<1x10000xi32, #tpu.memory_space<hbm>> -> memref<10000xi32, #tpu.memory_space<hbm>>
      tpu.enqueue_dma source(%dma_start3A_73 : memref<10000xi32, #tpu.memory_space<hbm>>) target(%arg5 : memref<10000xi32, #tpu.memory_space<vmem>>) target_semaphore(%run_scoped3A_69 : memref<!tpu.dma_semaphore, #tpu.memory_space<semaphore_mem>>)
      %dma_wait3A_74 = tpu.memref_slice %arg3[%run_scoped3A, %mul3A_2] : memref<2x320000xi32, #tpu.memory_space<hbm>> -> memref<1x10000xi32, #tpu.memory_space<hbm>>
      %dma_wait3A_75 = tpu.memref_squeeze %dma_wait3A_74 : memref<1x10000xi32, #tpu.memory_space<hbm>> -> memref<10000xi32, #tpu.memory_space<hbm>>
      %dma_wait3A_76 = tpu.memref_slice %arg3[%run_scoped3A, %mul3A_2] : memref<2x320000xi32, #tpu.memory_space<hbm>> -> memref<1x10000xi32, #tpu.memory_space<hbm>>
      %dma_wait3A_77 = tpu.memref_squeeze %dma_wait3A_76 : memref<1x10000xi32, #tpu.memory_space<hbm>> -> memref<10000xi32, #tpu.memory_space<hbm>>
      tpu.wait_dma2 semaphore(%run_scoped3A_69 : memref<!tpu.dma_semaphore, #tpu.memory_space<semaphore_mem>>) src(%dma_wait3A_77 : memref<10000xi32, #tpu.memory_space<hbm>>) dst(%arg5 : memref<10000xi32, #tpu.memory_space<vmem>>)
      tpu.yield
    }) : () -> ()
    %run_scoped3A_3 = arith.constant 1 : i32
    "tpu.region"() ({
      %run_scoped3A_69 = tpu.sem_alloc : memref<!tpu.dma_semaphore, #tpu.memory_space<semaphore_mem>>
      %dma_start3A_70 = tpu.memref_slice %arg3[%run_scoped3A_3, %mul3A_2] : memref<2x320000xi32, #tpu.memory_space<hbm>> -> memref<1x10000xi32, #tpu.memory_space<hbm>>
      %dma_start3A_71 = tpu.memref_squeeze %dma_start3A_70 : memref<1x10000xi32, #tpu.memory_space<hbm>> -> memref<10000xi32, #tpu.memory_space<hbm>>
      %dma_start3A_72 = tpu.memref_slice %arg3[%run_scoped3A_3, %mul3A_2] : memref<2x320000xi32, #tpu.memory_space<hbm>> -> memref<1x10000xi32, #tpu.memory_space<hbm>>
      %dma_start3A_73 = tpu.memref_squeeze %dma_start3A_72 : memref<1x10000xi32, #tpu.memory_space<hbm>> -> memref<10000xi32, #tpu.memory_space<hbm>>
      tpu.enqueue_dma source(%dma_start3A_73 : memref<10000xi32, #tpu.memory_space<hbm>>) target(%arg6 : memref<10000xi32, #tpu.memory_space<vmem>>) target_semaphore(%run_scoped3A_69 : memref<!tpu.dma_semaphore, #tpu.memory_space<semaphore_mem>>)
      %dma_wait3A_74 = tpu.memref_slice %arg3[%run_scoped3A_3, %mul3A_2] : memref<2x320000xi32, #tpu.memory_space<hbm>> -> memref<1x10000xi32, #tpu.memory_space<hbm>>
      %dma_wait3A_75 = tpu.memref_squeeze %dma_wait3A_74 : memref<1x10000xi32, #tpu.memory_space<hbm>> -> memref<10000xi32, #tpu.memory_space<hbm>>
      %dma_wait3A_76 = tpu.memref_slice %arg3[%run_scoped3A_3, %mul3A_2] : memref<2x320000xi32, #tpu.memory_space<hbm>> -> memref<1x10000xi32, #tpu.memory_space<hbm>>
      %dma_wait3A_77 = tpu.memref_squeeze %dma_wait3A_76 : memref<1x10000xi32, #tpu.memory_space<hbm>> -> memref<10000xi32, #tpu.memory_space<hbm>>
      tpu.wait_dma2 semaphore(%run_scoped3A_69 : memref<!tpu.dma_semaphore, #tpu.memory_space<semaphore_mem>>) src(%dma_wait3A_77 : memref<10000xi32, #tpu.memory_space<hbm>>) dst(%arg6 : memref<10000xi32, #tpu.memory_space<vmem>>)
      tpu.yield
    }) : () -> ()
    %broadcast_in_dim3A = arith.constant 0.000000e+00 : f32
    %broadcast_in_dim3A_4 = vector.broadcast %broadcast_in_dim3A : f32 to vector<16xf32>
    %scan3A = arith.constant 0 : i32
    %scan3A_5 = arith.constant 0 : i32
    %scan3A_6 = arith.constant 128 : i32
    %scan3A_7 = arith.addi %scan3A_5, %scan3A_6 : i32
    %scan3A_8 = arith.constant 1 : i32
    %scan3A_9 = scf.for %scan3A_69 = %scan3A_5 to %scan3A_7 step %scan3A_8 iter_args(%scan3A_70 = %scan3A) -> (i32)  : i32 {
      %swap3A = arith.index_cast %scan3A_69 : i32 to index
      %swap3A_71 = arith.constant 0 : index
      %swap3A_72 = tpu.vector_load %arg9[%swap3A, %swap3A_71] {strides = array<i32>} : memref<128x64xf32, #tpu.memory_space<vmem>>, vector<1x16xf32>,
      %swap3A_73 = vector.shape_cast %swap3A_72 : vector<1x16xf32> to vector<16xf32>
      %swap3A_74 = vector.shape_cast %broadcast_in_dim3A_4 : vector<16xf32> to vector<1x16xf32>
      tpu.vector_store %arg9[%swap3A, %swap3A_71], %swap3A_74 {strides = array<i32>} : memref<128x64xf32, #tpu.memory_space<vmem>>, vector<1x16xf32>,
      %swap3A_75 = arith.index_cast %scan3A_69 : i32 to index
      %swap3A_76 = arith.constant 16 : index
      %swap3A_77 = tpu.vector_load %arg9[%swap3A_75, %swap3A_76] {strides = array<i32>} : memref<128x64xf32, #tpu.memory_space<vmem>>, vector<1x16xf32>,
      %swap3A_78 = vector.shape_cast %swap3A_77 : vector<1x16xf32> to vector<16xf32>
      %swap3A_79 = vector.shape_cast %broadcast_in_dim3A_4 : vector<16xf32> to vector<1x16xf32>
      tpu.vector_store %arg9[%swap3A_75, %swap3A_76], %swap3A_79 {strides = array<i32>} : memref<128x64xf32, #tpu.memory_space<vmem>>, vector<1x16xf32>,
      %swap3A_80 = arith.index_cast %scan3A_69 : i32 to index
      %swap3A_81 = arith.constant 32 : index
      %swap3A_82 = tpu.vector_load %arg9[%swap3A_80, %swap3A_81] {strides = array<i32>} : memref<128x64xf32, #tpu.memory_space<vmem>>, vector<1x16xf32>,
      %swap3A_83 = vector.shape_cast %swap3A_82 : vector<1x16xf32> to vector<16xf32>
      %swap3A_84 = vector.shape_cast %broadcast_in_dim3A_4 : vector<16xf32> to vector<1x16xf32>
      tpu.vector_store %arg9[%swap3A_80, %swap3A_81], %swap3A_84 {strides = array<i32>} : memref<128x64xf32, #tpu.memory_space<vmem>>, vector<1x16xf32>,
      %swap3A_85 = arith.index_cast %scan3A_69 : i32 to index
      %swap3A_86 = arith.constant 48 : index
      %swap3A_87 = tpu.vector_load %arg9[%swap3A_85, %swap3A_86] {strides = array<i32>} : memref<128x64xf32, #tpu.memory_space<vmem>>, vector<1x16xf32>,
      %swap3A_88 = vector.shape_cast %swap3A_87 : vector<1x16xf32> to vector<16xf32>
      %swap3A_89 = vector.shape_cast %broadcast_in_dim3A_4 : vector<16xf32> to vector<1x16xf32>
      tpu.vector_store %arg9[%swap3A_85, %swap3A_86], %swap3A_89 {strides = array<i32>} : memref<128x64xf32, #tpu.memory_space<vmem>>, vector<1x16xf32>,
      %scan3A_90 = arith.constant 0 : i32
      scf.yield %scan3A_90 : i32
    }
    %scan3A_10 = arith.constant 128 : i32
    %mul3A_11 = arith.constant 640 : i32
    %mul3A_12 = arith.muli %arg1, %mul3A_11 : i32
    %add3A_13 = arith.constant 0 : i32
    %add3A_14 = arith.addi %mul3A_12, %add3A_13 : i32
    "tpu.region"() ({
      %run_scoped3A_69 = tpu.sem_alloc : memref<!tpu.dma_semaphore, #tpu.memory_space<semaphore_mem>>
      %dma_start3A_70 = arith.constant 0 : i32
      %dma_start3A_71 = tpu.memref_slice %arg10[%add3A_14, %dma_start3A_70] : memref<10240x64xf32, #tpu.memory_space<vmem_shared>> -> memref<128x64xf32, #tpu.memory_space<vmem_shared>>
      %dma_start3A_72 = arith.constant 0 : i32
      %dma_start3A_73 = tpu.memref_slice %arg10[%add3A_14, %dma_start3A_72] : memref<10240x64xf32, #tpu.memory_space<vmem_shared>> -> memref<128x64xf32, #tpu.memory_space<vmem_shared>>
      tpu.enqueue_dma source(%arg9 : memref<128x64xf32, #tpu.memory_space<vmem>>) target(%dma_start3A_73 : memref<128x64xf32, #tpu.memory_space<vmem_shared>>) target_semaphore(%run_scoped3A_69 : memref<!tpu.dma_semaphore, #tpu.memory_space<semaphore_mem>>)
      %dma_wait3A_74 = arith.constant 0 : i32
      %dma_wait3A_75 = tpu.memref_slice %arg10[%add3A_14, %dma_wait3A_74] : memref<10240x64xf32, #tpu.memory_space<vmem_shared>> -> memref<128x64xf32, #tpu.memory_space<vmem_shared>>
      %dma_wait3A_76 = arith.constant 0 : i32
      %dma_wait3A_77 = tpu.memref_slice %arg10[%add3A_14, %dma_wait3A_76] : memref<10240x64xf32, #tpu.memory_space<vmem_shared>> -> memref<128x64xf32, #tpu.memory_space<vmem_shared>>
      tpu.wait_dma2 semaphore(%run_scoped3A_69 : memref<!tpu.dma_semaphore, #tpu.memory_space<semaphore_mem>>) src(%arg9 : memref<128x64xf32, #tpu.memory_space<vmem>>) dst(%dma_wait3A_77 : memref<128x64xf32, #tpu.memory_space<vmem_shared>>)
      tpu.yield
    }) : () -> ()
    %add3A_15 = arith.constant 128 : i32
    %add3A_16 = arith.addi %mul3A_12, %add3A_15 : i32
    "tpu.region"() ({
      %run_scoped3A_69 = tpu.sem_alloc : memref<!tpu.dma_semaphore, #tpu.memory_space<semaphore_mem>>
      %dma_start3A_70 = arith.constant 0 : i32
      %dma_start3A_71 = tpu.memref_slice %arg10[%add3A_16, %dma_start3A_70] : memref<10240x64xf32, #tpu.memory_space<vmem_shared>> -> memref<128x64xf32, #tpu.memory_space<vmem_shared>>
      %dma_start3A_72 = arith.constant 0 : i32
      %dma_start3A_73 = tpu.memref_slice %arg10[%add3A_16, %dma_start3A_72] : memref<10240x64xf32, #tpu.memory_space<vmem_shared>> -> memref<128x64xf32, #tpu.memory_space<vmem_shared>>
      tpu.enqueue_dma source(%arg9 : memref<128x64xf32, #tpu.memory_space<vmem>>) target(%dma_start3A_73 : memref<128x64xf32, #tpu.memory_space<vmem_shared>>) target_semaphore(%run_scoped3A_69 : memref<!tpu.dma_semaphore, #tpu.memory_space<semaphore_mem>>)
      %dma_wait3A_74 = arith.constant 0 : i32
      %dma_wait3A_75 = tpu.memref_slice %arg10[%add3A_16, %dma_wait3A_74] : memref<10240x64xf32, #tpu.memory_space<vmem_shared>> -> memref<128x64xf32, #tpu.memory_space<vmem_shared>>
      %dma_wait3A_76 = arith.constant 0 : i32
      %dma_wait3A_77 = tpu.memref_slice %arg10[%add3A_16, %dma_wait3A_76] : memref<10240x64xf32, #tpu.memory_space<vmem_shared>> -> memref<128x64xf32, #tpu.memory_space<vmem_shared>>
      tpu.wait_dma2 semaphore(%run_scoped3A_69 : memref<!tpu.dma_semaphore, #tpu.memory_space<semaphore_mem>>) src(%arg9 : memref<128x64xf32, #tpu.memory_space<vmem>>) dst(%dma_wait3A_77 : memref<128x64xf32, #tpu.memory_space<vmem_shared>>)
      tpu.yield
    }) : () -> ()
    %add3A_17 = arith.constant 256 : i32
    %add3A_18 = arith.addi %mul3A_12, %add3A_17 : i32
    "tpu.region"() ({
      %run_scoped3A_69 = tpu.sem_alloc : memref<!tpu.dma_semaphore, #tpu.memory_space<semaphore_mem>>
      %dma_start3A_70 = arith.constant 0 : i32
      %dma_start3A_71 = tpu.memref_slice %arg10[%add3A_18, %dma_start3A_70] : memref<10240x64xf32, #tpu.memory_space<vmem_shared>> -> memref<128x64xf32, #tpu.memory_space<vmem_shared>>
      %dma_start3A_72 = arith.constant 0 : i32
      %dma_start3A_73 = tpu.memref_slice %arg10[%add3A_18, %dma_start3A_72] : memref<10240x64xf32, #tpu.memory_space<vmem_shared>> -> memref<128x64xf32, #tpu.memory_space<vmem_shared>>
      tpu.enqueue_dma source(%arg9 : memref<128x64xf32, #tpu.memory_space<vmem>>) target(%dma_start3A_73 : memref<128x64xf32, #tpu.memory_space<vmem_shared>>) target_semaphore(%run_scoped3A_69 : memref<!tpu.dma_semaphore, #tpu.memory_space<semaphore_mem>>)
      %dma_wait3A_74 = arith.constant 0 : i32
      %dma_wait3A_75 = tpu.memref_slice %arg10[%add3A_18, %dma_wait3A_74] : memref<10240x64xf32, #tpu.memory_space<vmem_shared>> -> memref<128x64xf32, #tpu.memory_space<vmem_shared>>
      %dma_wait3A_76 = arith.constant 0 : i32
      %dma_wait3A_77 = tpu.memref_slice %arg10[%add3A_18, %dma_wait3A_76] : memref<10240x64xf32, #tpu.memory_space<vmem_shared>> -> memref<128x64xf32, #tpu.memory_space<vmem_shared>>
      tpu.wait_dma2 semaphore(%run_scoped3A_69 : memref<!tpu.dma_semaphore, #tpu.memory_space<semaphore_mem>>) src(%arg9 : memref<128x64xf32, #tpu.memory_space<vmem>>) dst(%dma_wait3A_77 : memref<128x64xf32, #tpu.memory_space<vmem_shared>>)
      tpu.yield
    }) : () -> ()
    %add3A_19 = arith.constant 384 : i32
    %add3A_20 = arith.addi %mul3A_12, %add3A_19 : i32
    "tpu.region"() ({
      %run_scoped3A_69 = tpu.sem_alloc : memref<!tpu.dma_semaphore, #tpu.memory_space<semaphore_mem>>
      %dma_start3A_70 = arith.constant 0 : i32
      %dma_start3A_71 = tpu.memref_slice %arg10[%add3A_20, %dma_start3A_70] : memref<10240x64xf32, #tpu.memory_space<vmem_shared>> -> memref<128x64xf32, #tpu.memory_space<vmem_shared>>
      %dma_start3A_72 = arith.constant 0 : i32
      %dma_start3A_73 = tpu.memref_slice %arg10[%add3A_20, %dma_start3A_72] : memref<10240x64xf32, #tpu.memory_space<vmem_shared>> -> memref<128x64xf32, #tpu.memory_space<vmem_shared>>
      tpu.enqueue_dma source(%arg9 : memref<128x64xf32, #tpu.memory_space<vmem>>) target(%dma_start3A_73 : memref<128x64xf32, #tpu.memory_space<vmem_shared>>) target_semaphore(%run_scoped3A_69 : memref<!tpu.dma_semaphore, #tpu.memory_space<semaphore_mem>>)
      %dma_wait3A_74 = arith.constant 0 : i32
      %dma_wait3A_75 = tpu.memref_slice %arg10[%add3A_20, %dma_wait3A_74] : memref<10240x64xf32, #tpu.memory_space<vmem_shared>> -> memref<128x64xf32, #tpu.memory_space<vmem_shared>>
      %dma_wait3A_76 = arith.constant 0 : i32
      %dma_wait3A_77 = tpu.memref_slice %arg10[%add3A_20, %dma_wait3A_76] : memref<10240x64xf32, #tpu.memory_space<vmem_shared>> -> memref<128x64xf32, #tpu.memory_space<vmem_shared>>
      tpu.wait_dma2 semaphore(%run_scoped3A_69 : memref<!tpu.dma_semaphore, #tpu.memory_space<semaphore_mem>>) src(%arg9 : memref<128x64xf32, #tpu.memory_space<vmem>>) dst(%dma_wait3A_77 : memref<128x64xf32, #tpu.memory_space<vmem_shared>>)
      tpu.yield
    }) : () -> ()
    %add3A_21 = arith.constant 512 : i32
    %add3A_22 = arith.addi %mul3A_12, %add3A_21 : i32
    "tpu.region"() ({
      %run_scoped3A_69 = tpu.sem_alloc : memref<!tpu.dma_semaphore, #tpu.memory_space<semaphore_mem>>
      %dma_start3A_70 = arith.constant 0 : i32
      %dma_start3A_71 = tpu.memref_slice %arg10[%add3A_22, %dma_start3A_70] : memref<10240x64xf32, #tpu.memory_space<vmem_shared>> -> memref<128x64xf32, #tpu.memory_space<vmem_shared>>
      %dma_start3A_72 = arith.constant 0 : i32
      %dma_start3A_73 = tpu.memref_slice %arg10[%add3A_22, %dma_start3A_72] : memref<10240x64xf32, #tpu.memory_space<vmem_shared>> -> memref<128x64xf32, #tpu.memory_space<vmem_shared>>
      tpu.enqueue_dma source(%arg9 : memref<128x64xf32, #tpu.memory_space<vmem>>) target(%dma_start3A_73 : memref<128x64xf32, #tpu.memory_space<vmem_shared>>) target_semaphore(%run_scoped3A_69 : memref<!tpu.dma_semaphore, #tpu.memory_space<semaphore_mem>>)
      %dma_wait3A_74 = arith.constant 0 : i32
      %dma_wait3A_75 = tpu.memref_slice %arg10[%add3A_22, %dma_wait3A_74] : memref<10240x64xf32, #tpu.memory_space<vmem_shared>> -> memref<128x64xf32, #tpu.memory_space<vmem_shared>>
      %dma_wait3A_76 = arith.constant 0 : i32
      %dma_wait3A_77 = tpu.memref_slice %arg10[%add3A_22, %dma_wait3A_76] : memref<10240x64xf32, #tpu.memory_space<vmem_shared>> -> memref<128x64xf32, #tpu.memory_space<vmem_shared>>
      tpu.wait_dma2 semaphore(%run_scoped3A_69 : memref<!tpu.dma_semaphore, #tpu.memory_space<semaphore_mem>>) src(%arg9 : memref<128x64xf32, #tpu.memory_space<vmem>>) dst(%dma_wait3A_77 : memref<128x64xf32, #tpu.memory_space<vmem_shared>>)
      tpu.yield
    }) : () -> ()
    %barrier3A = arith.constant 0 : index
    tpu.barrier barrier_id(%barrier3A)
    %dma_start3A = arith.constant 0 : i32
    %dma_start3A_23 = tpu.memref_slice %arg5[%dma_start3A] : memref<10000xi32, #tpu.memory_space<vmem>> -> memref<128xi32, #tpu.memory_space<vmem>>
    %dma_start3A_24 = arith.constant 0 : i32
    %dma_start3A_25 = arith.constant 0 : i32
    %dma_start3A_26 = tpu.memref_slice %arg2[%dma_start3A_24, %dma_start3A_25] : memref<10000x64xf32, #tpu.memory_space<hbm>> -> memref<10000x64xf32, #tpu.memory_space<hbm>>
    tpu.enqueue_indirect_dma source(%dma_start3A_26 : memref<10000x64xf32, #tpu.memory_space<hbm>>) target(%arg7 : memref<128x64xf32, #tpu.memory_space<vmem>>) offsets(%dma_start3A_23 : memref<128xi32, #tpu.memory_space<vmem>>) semaphore(%arg11 : memref<!tpu.dma_semaphore, #tpu.memory_space<semaphore_mem>>)
    %dma_start3A_27 = arith.constant 128 : i32
    %dma_start3A_28 = tpu.memref_slice %arg5[%dma_start3A_27] : memref<10000xi32, #tpu.memory_space<vmem>> -> memref<128xi32, #tpu.memory_space<vmem>>
    %dma_start3A_29 = arith.constant 0 : i32
    %dma_start3A_30 = arith.constant 0 : i32
    %dma_start3A_31 = tpu.memref_slice %arg2[%dma_start3A_29, %dma_start3A_30] : memref<10000x64xf32, #tpu.memory_space<hbm>> -> memref<10000x64xf32, #tpu.memory_space<hbm>>
    tpu.enqueue_indirect_dma source(%dma_start3A_31 : memref<10000x64xf32, #tpu.memory_space<hbm>>) target(%arg8 : memref<128x64xf32, #tpu.memory_space<vmem>>) offsets(%dma_start3A_28 : memref<128xi32, #tpu.memory_space<vmem>>) semaphore(%arg12 : memref<!tpu.dma_semaphore, #tpu.memory_space<semaphore_mem>>)
    %scan3A_32 = arith.constant 0 : i32
    %scan3A_33 = arith.constant 0 : i32
    %scan3A_34 = arith.constant 38 : i32
    %scan3A_35 = arith.addi %scan3A_33, %scan3A_34 : i32
    %scan3A_36 = arith.constant 1 : i32
    %scan3A_37 = scf.for %scan3A_69 = %scan3A_33 to %scan3A_35 step %scan3A_36 iter_args(%scan3A_70 = %scan3A_32) -> (i32)  : i32 {
      %mul3A_71 = arith.constant 2 : i32
      %mul3A_72 = arith.muli %mul3A_71, %scan3A_69 : i32
      %add3A_73 = arith.constant 1 : i32
      %add3A_74 = arith.addi %mul3A_72, %add3A_73 : i32
      %mul3A_75 = arith.constant 128 : i32
      %mul3A_76 = arith.muli %mul3A_72, %mul3A_75 : i32
      %dma_wait3A_77 = tpu.memref_slice %arg5[%mul3A_76] : memref<10000xi32, #tpu.memory_space<vmem>> -> memref<128xi32, #tpu.memory_space<vmem>>
      %dma_wait3A_78 = arith.constant 0 : i32
      %dma_wait3A_79 = arith.constant 0 : i32
      %dma_wait3A_80 = tpu.memref_slice %arg2[%dma_wait3A_78, %dma_wait3A_79] : memref<10000x64xf32, #tpu.memory_space<hbm>> -> memref<10000x64xf32, #tpu.memory_space<hbm>>
      tpu.wait_indirect_dma semaphore(%arg11 : memref<!tpu.dma_semaphore, #tpu.memory_space<semaphore_mem>>) src(%dma_wait3A_80 : memref<10000x64xf32, #tpu.memory_space<hbm>>) dst(%arg7 : memref<128x64xf32, #tpu.memory_space<vmem>>)
      %mul3A_81 = arith.constant 128 : i32
      %mul3A_82 = arith.muli %mul3A_72, %mul3A_81 : i32
      "tpu.region"() ({
        %run_scoped3A_108 = tpu.sem_alloc : memref<!tpu.dma_semaphore, #tpu.memory_space<semaphore_mem>>
        %dma_start3A_109 = tpu.memref_slice %arg6[%mul3A_82] : memref<10000xi32, #tpu.memory_space<vmem>> -> memref<128xi32, #tpu.memory_space<vmem>>
        %dma_start3A_110 = arith.constant 0 : i32
        %dma_start3A_111 = arith.constant 0 : i32
        %dma_start3A_112 = tpu.memref_slice %arg10[%dma_start3A_110, %dma_start3A_111] : memref<10240x64xf32, #tpu.memory_space<vmem_shared>> -> memref<10240x64xf32, #tpu.memory_space<vmem_shared>>
        tpu.enqueue_indirect_dma source(%arg7 : memref<128x64xf32, #tpu.memory_space<vmem>>) target(%dma_start3A_112 : memref<10240x64xf32, #tpu.memory_space<vmem_shared>>) offsets(%dma_start3A_109 : memref<128xi32, #tpu.memory_space<vmem>>) semaphore(%run_scoped3A_108 : memref<!tpu.dma_semaphore, #tpu.memory_space<semaphore_mem>>) {add = true}
        %dma_wait3A_113 = tpu.memref_slice %arg6[%mul3A_82] : memref<10000xi32, #tpu.memory_space<vmem>> -> memref<128xi32, #tpu.memory_space<vmem>>
        %dma_wait3A_114 = arith.constant 0 : i32
        %dma_wait3A_115 = arith.constant 0 : i32
        %dma_wait3A_116 = tpu.memref_slice %arg10[%dma_wait3A_114, %dma_wait3A_115] : memref<10240x64xf32, #tpu.memory_space<vmem_shared>> -> memref<10240x64xf32, #tpu.memory_space<vmem_shared>>
        tpu.wait_indirect_dma semaphore(%run_scoped3A_108 : memref<!tpu.dma_semaphore, #tpu.memory_space<semaphore_mem>>) src(%arg7 : memref<128x64xf32, #tpu.memory_space<vmem>>) dst(%dma_wait3A_116 : memref<10240x64xf32, #tpu.memory_space<vmem_shared>>)
        tpu.yield
      }) : () -> ()
      %add3A_83 = arith.constant 2 : i32
      %add3A_84 = arith.addi %mul3A_72, %add3A_83 : i32
      %mul3A_85 = arith.constant 128 : i32
      %mul3A_86 = arith.muli %add3A_84, %mul3A_85 : i32
      %dma_start3A_87 = tpu.memref_slice %arg5[%mul3A_86] : memref<10000xi32, #tpu.memory_space<vmem>> -> memref<128xi32, #tpu.memory_space<vmem>>
      %dma_start3A_88 = arith.constant 0 : i32
      %dma_start3A_89 = arith.constant 0 : i32
      %dma_start3A_90 = tpu.memref_slice %arg2[%dma_start3A_88, %dma_start3A_89] : memref<10000x64xf32, #tpu.memory_space<hbm>> -> memref<10000x64xf32, #tpu.memory_space<hbm>>
      tpu.enqueue_indirect_dma source(%dma_start3A_90 : memref<10000x64xf32, #tpu.memory_space<hbm>>) target(%arg7 : memref<128x64xf32, #tpu.memory_space<vmem>>) offsets(%dma_start3A_87 : memref<128xi32, #tpu.memory_space<vmem>>) semaphore(%arg11 : memref<!tpu.dma_semaphore, #tpu.memory_space<semaphore_mem>>)
      %mul3A_91 = arith.constant 128 : i32
      %mul3A_92 = arith.muli %add3A_74, %mul3A_91 : i32
      %dma_wait3A_93 = tpu.memref_slice %arg5[%mul3A_92] : memref<10000xi32, #tpu.memory_space<vmem>> -> memref<128xi32, #tpu.memory_space<vmem>>
      %dma_wait3A_94 = arith.constant 0 : i32
      %dma_wait3A_95 = arith.constant 0 : i32
      %dma_wait3A_96 = tpu.memref_slice %arg2[%dma_wait3A_94, %dma_wait3A_95] : memref<10000x64xf32, #tpu.memory_space<hbm>> -> memref<10000x64xf32, #tpu.memory_space<hbm>>
      tpu.wait_indirect_dma semaphore(%arg12 : memref<!tpu.dma_semaphore, #tpu.memory_space<semaphore_mem>>) src(%dma_wait3A_96 : memref<10000x64xf32, #tpu.memory_space<hbm>>) dst(%arg8 : memref<128x64xf32, #tpu.memory_space<vmem>>)
      %mul3A_97 = arith.constant 128 : i32
      %mul3A_98 = arith.muli %add3A_74, %mul3A_97 : i32
      "tpu.region"() ({
        %run_scoped3A_108 = tpu.sem_alloc : memref<!tpu.dma_semaphore, #tpu.memory_space<semaphore_mem>>
        %dma_start3A_109 = tpu.memref_slice %arg6[%mul3A_98] : memref<10000xi32, #tpu.memory_space<vmem>> -> memref<128xi32, #tpu.memory_space<vmem>>
        %dma_start3A_110 = arith.constant 0 : i32
        %dma_start3A_111 = arith.constant 0 : i32
        %dma_start3A_112 = tpu.memref_slice %arg10[%dma_start3A_110, %dma_start3A_111] : memref<10240x64xf32, #tpu.memory_space<vmem_shared>> -> memref<10240x64xf32, #tpu.memory_space<vmem_shared>>
        tpu.enqueue_indirect_dma source(%arg8 : memref<128x64xf32, #tpu.memory_space<vmem>>) target(%dma_start3A_112 : memref<10240x64xf32, #tpu.memory_space<vmem_shared>>) offsets(%dma_start3A_109 : memref<128xi32, #tpu.memory_space<vmem>>) semaphore(%run_scoped3A_108 : memref<!tpu.dma_semaphore, #tpu.memory_space<semaphore_mem>>) {add = true}
        %dma_wait3A_113 = tpu.memref_slice %arg6[%mul3A_98] : memref<10000xi32, #tpu.memory_space<vmem>> -> memref<128xi32, #tpu.memory_space<vmem>>
        %dma_wait3A_114 = arith.constant 0 : i32
        %dma_wait3A_115 = arith.constant 0 : i32
        %dma_wait3A_116 = tpu.memref_slice %arg10[%dma_wait3A_114, %dma_wait3A_115] : memref<10240x64xf32, #tpu.memory_space<vmem_shared>> -> memref<10240x64xf32, #tpu.memory_space<vmem_shared>>
        tpu.wait_indirect_dma semaphore(%run_scoped3A_108 : memref<!tpu.dma_semaphore, #tpu.memory_space<semaphore_mem>>) src(%arg8 : memref<128x64xf32, #tpu.memory_space<vmem>>) dst(%dma_wait3A_116 : memref<10240x64xf32, #tpu.memory_space<vmem_shared>>)
        tpu.yield
      }) : () -> ()
      %add3A_99 = arith.constant 2 : i32
      %add3A_100 = arith.addi %add3A_74, %add3A_99 : i32
      %mul3A_101 = arith.constant 128 : i32
      %mul3A_102 = arith.muli %add3A_100, %mul3A_101 : i32
      %dma_start3A_103 = tpu.memref_slice %arg5[%mul3A_102] : memref<10000xi32, #tpu.memory_space<vmem>> -> memref<128xi32, #tpu.memory_space<vmem>>
      %dma_start3A_104 = arith.constant 0 : i32
      %dma_start3A_105 = arith.constant 0 : i32
      %dma_start3A_106 = tpu.memref_slice %arg2[%dma_start3A_104, %dma_start3A_105] : memref<10000x64xf32, #tpu.memory_space<hbm>> -> memref<10000x64xf32, #tpu.memory_space<hbm>>
      tpu.enqueue_indirect_dma source(%dma_start3A_106 : memref<10000x64xf32, #tpu.memory_space<hbm>>) target(%arg8 : memref<128x64xf32, #tpu.memory_space<vmem>>) offsets(%dma_start3A_103 : memref<128xi32, #tpu.memory_space<vmem>>) semaphore(%arg12 : memref<!tpu.dma_semaphore, #tpu.memory_space<semaphore_mem>>)
      %scan3A_107 = arith.constant 0 : i32
      scf.yield %scan3A_107 : i32
    }
    %scan3A_38 = arith.constant 38 : i32
    %dma_wait3A = arith.constant 9728 : i32
    %dma_wait3A_39 = tpu.memref_slice %arg5[%dma_wait3A] : memref<10000xi32, #tpu.memory_space<vmem>> -> memref<128xi32, #tpu.memory_space<vmem>>
    %dma_wait3A_40 = arith.constant 0 : i32
    %dma_wait3A_41 = arith.constant 0 : i32
    %dma_wait3A_42 = tpu.memref_slice %arg2[%dma_wait3A_40, %dma_wait3A_41] : memref<10000x64xf32, #tpu.memory_space<hbm>> -> memref<10000x64xf32, #tpu.memory_space<hbm>>
    tpu.wait_indirect_dma semaphore(%arg11 : memref<!tpu.dma_semaphore, #tpu.memory_space<semaphore_mem>>) src(%dma_wait3A_42 : memref<10000x64xf32, #tpu.memory_space<hbm>>) dst(%arg7 : memref<128x64xf32, #tpu.memory_space<vmem>>)
    "tpu.region"() ({
      %run_scoped3A_69 = tpu.sem_alloc : memref<!tpu.dma_semaphore, #tpu.memory_space<semaphore_mem>>
      %dma_start3A_70 = arith.constant 9728 : i32
      %dma_start3A_71 = tpu.memref_slice %arg6[%dma_start3A_70] : memref<10000xi32, #tpu.memory_space<vmem>> -> memref<128xi32, #tpu.memory_space<vmem>>
      %dma_start3A_72 = arith.constant 0 : i32
      %dma_start3A_73 = arith.constant 0 : i32
      %dma_start3A_74 = tpu.memref_slice %arg10[%dma_start3A_72, %dma_start3A_73] : memref<10240x64xf32, #tpu.memory_space<vmem_shared>> -> memref<10240x64xf32, #tpu.memory_space<vmem_shared>>
      tpu.enqueue_indirect_dma source(%arg7 : memref<128x64xf32, #tpu.memory_space<vmem>>) target(%dma_start3A_74 : memref<10240x64xf32, #tpu.memory_space<vmem_shared>>) offsets(%dma_start3A_71 : memref<128xi32, #tpu.memory_space<vmem>>) semaphore(%run_scoped3A_69 : memref<!tpu.dma_semaphore, #tpu.memory_space<semaphore_mem>>) {add = true}
      %dma_wait3A_75 = arith.constant 9728 : i32
      %dma_wait3A_76 = tpu.memref_slice %arg6[%dma_wait3A_75] : memref<10000xi32, #tpu.memory_space<vmem>> -> memref<128xi32, #tpu.memory_space<vmem>>
      %dma_wait3A_77 = arith.constant 0 : i32
      %dma_wait3A_78 = arith.constant 0 : i32
      %dma_wait3A_79 = tpu.memref_slice %arg10[%dma_wait3A_77, %dma_wait3A_78] : memref<10240x64xf32, #tpu.memory_space<vmem_shared>> -> memref<10240x64xf32, #tpu.memory_space<vmem_shared>>
      tpu.wait_indirect_dma semaphore(%run_scoped3A_69 : memref<!tpu.dma_semaphore, #tpu.memory_space<semaphore_mem>>) src(%arg7 : memref<128x64xf32, #tpu.memory_space<vmem>>) dst(%dma_wait3A_79 : memref<10240x64xf32, #tpu.memory_space<vmem_shared>>)
      tpu.yield
    }) : () -> ()
    %dma_wait3A_43 = arith.constant 9856 : i32
    %dma_wait3A_44 = tpu.memref_slice %arg5[%dma_wait3A_43] : memref<10000xi32, #tpu.memory_space<vmem>> -> memref<128xi32, #tpu.memory_space<vmem>>
    %dma_wait3A_45 = arith.constant 0 : i32
    %dma_wait3A_46 = arith.constant 0 : i32
    %dma_wait3A_47 = tpu.memref_slice %arg2[%dma_wait3A_45, %dma_wait3A_46] : memref<10000x64xf32, #tpu.memory_space<hbm>> -> memref<10000x64xf32, #tpu.memory_space<hbm>>
    tpu.wait_indirect_dma semaphore(%arg12 : memref<!tpu.dma_semaphore, #tpu.memory_space<semaphore_mem>>) src(%dma_wait3A_47 : memref<10000x64xf32, #tpu.memory_space<hbm>>) dst(%arg8 : memref<128x64xf32, #tpu.memory_space<vmem>>)
    "tpu.region"() ({
      %run_scoped3A_69 = tpu.sem_alloc : memref<!tpu.dma_semaphore, #tpu.memory_space<semaphore_mem>>
      %dma_start3A_70 = arith.constant 9856 : i32
      %dma_start3A_71 = tpu.memref_slice %arg6[%dma_start3A_70] : memref<10000xi32, #tpu.memory_space<vmem>> -> memref<128xi32, #tpu.memory_space<vmem>>
      %dma_start3A_72 = arith.constant 0 : i32
      %dma_start3A_73 = arith.constant 0 : i32
      %dma_start3A_74 = tpu.memref_slice %arg10[%dma_start3A_72, %dma_start3A_73] : memref<10240x64xf32, #tpu.memory_space<vmem_shared>> -> memref<10240x64xf32, #tpu.memory_space<vmem_shared>>
      tpu.enqueue_indirect_dma source(%arg8 : memref<128x64xf32, #tpu.memory_space<vmem>>) target(%dma_start3A_74 : memref<10240x64xf32, #tpu.memory_space<vmem_shared>>) offsets(%dma_start3A_71 : memref<128xi32, #tpu.memory_space<vmem>>) semaphore(%run_scoped3A_69 : memref<!tpu.dma_semaphore, #tpu.memory_space<semaphore_mem>>) {add = true}
      %dma_wait3A_75 = arith.constant 9856 : i32
      %dma_wait3A_76 = tpu.memref_slice %arg6[%dma_wait3A_75] : memref<10000xi32, #tpu.memory_space<vmem>> -> memref<128xi32, #tpu.memory_space<vmem>>
      %dma_wait3A_77 = arith.constant 0 : i32
      %dma_wait3A_78 = arith.constant 0 : i32
      %dma_wait3A_79 = tpu.memref_slice %arg10[%dma_wait3A_77, %dma_wait3A_78] : memref<10240x64xf32, #tpu.memory_space<vmem_shared>> -> memref<10240x64xf32, #tpu.memory_space<vmem_shared>>
      tpu.wait_indirect_dma semaphore(%run_scoped3A_69 : memref<!tpu.dma_semaphore, #tpu.memory_space<semaphore_mem>>) src(%arg8 : memref<128x64xf32, #tpu.memory_space<vmem>>) dst(%dma_wait3A_79 : memref<10240x64xf32, #tpu.memory_space<vmem_shared>>)
      tpu.yield
    }) : () -> ()
    %dma_start3A_48 = arith.constant 0 : i32
    %dma_start3A_49 = arith.constant 0 : i32
    %dma_start3A_50 = tpu.memref_slice %arg8[%dma_start3A_48, %dma_start3A_49] : memref<128x64xf32, #tpu.memory_space<vmem>> -> memref<16x64xf32, #tpu.memory_space<vmem>>
    %dma_start3A_51 = arith.constant 9984 : i32
    %dma_start3A_52 = tpu.memref_slice %arg5[%dma_start3A_51] : memref<10000xi32, #tpu.memory_space<vmem>> -> memref<16xi32, #tpu.memory_space<vmem>>
    %dma_start3A_53 = arith.constant 0 : i32
    %dma_start3A_54 = arith.constant 0 : i32
    %dma_start3A_55 = tpu.memref_slice %arg2[%dma_start3A_53, %dma_start3A_54] : memref<10000x64xf32, #tpu.memory_space<hbm>> -> memref<10000x64xf32, #tpu.memory_space<hbm>>
    tpu.enqueue_indirect_dma source(%dma_start3A_55 : memref<10000x64xf32, #tpu.memory_space<hbm>>) target(%dma_start3A_50 : memref<16x64xf32, #tpu.memory_space<vmem>>) offsets(%dma_start3A_52 : memref<16xi32, #tpu.memory_space<vmem>>) semaphore(%arg11 : memref<!tpu.dma_semaphore, #tpu.memory_space<semaphore_mem>>)
    %dma_wait3A_56 = arith.constant 0 : i32
    %dma_wait3A_57 = arith.constant 0 : i32
    %dma_wait3A_58 = tpu.memref_slice %arg8[%dma_wait3A_56, %dma_wait3A_57] : memref<128x64xf32, #tpu.memory_space<vmem>> -> memref<16x64xf32, #tpu.memory_space<vmem>>
    %dma_wait3A_59 = arith.constant 9984 : i32
    %dma_wait3A_60 = tpu.memref_slice %arg5[%dma_wait3A_59] : memref<10000xi32, #tpu.memory_space<vmem>> -> memref<16xi32, #tpu.memory_space<vmem>>
    %dma_wait3A_61 = arith.constant 0 : i32
    %dma_wait3A_62 = arith.constant 0 : i32
    %dma_wait3A_63 = tpu.memref_slice %arg2[%dma_wait3A_61, %dma_wait3A_62] : memref<10000x64xf32, #tpu.memory_space<hbm>> -> memref<10000x64xf32, #tpu.memory_space<hbm>>
    tpu.wait_indirect_dma semaphore(%arg11 : memref<!tpu.dma_semaphore, #tpu.memory_space<semaphore_mem>>) src(%dma_wait3A_63 : memref<10000x64xf32, #tpu.memory_space<hbm>>) dst(%dma_wait3A_58 : memref<16x64xf32, #tpu.memory_space<vmem>>)
    "tpu.region"() ({
      %run_scoped3A_69 = tpu.sem_alloc : memref<!tpu.dma_semaphore, #tpu.memory_space<semaphore_mem>>
      %dma_start3A_70 = arith.constant 0 : i32
      %dma_start3A_71 = arith.constant 0 : i32
      %dma_start3A_72 = tpu.memref_slice %arg8[%dma_start3A_70, %dma_start3A_71] : memref<128x64xf32, #tpu.memory_space<vmem>> -> memref<16x64xf32, #tpu.memory_space<vmem>>
      %dma_start3A_73 = arith.constant 9984 : i32
      %dma_start3A_74 = tpu.memref_slice %arg6[%dma_start3A_73] : memref<10000xi32, #tpu.memory_space<vmem>> -> memref<16xi32, #tpu.memory_space<vmem>>
      %dma_start3A_75 = arith.constant 0 : i32
      %dma_start3A_76 = arith.constant 0 : i32
      %dma_start3A_77 = tpu.memref_slice %arg10[%dma_start3A_75, %dma_start3A_76] : memref<10240x64xf32, #tpu.memory_space<vmem_shared>> -> memref<10240x64xf32, #tpu.memory_space<vmem_shared>>
      tpu.enqueue_indirect_dma source(%dma_start3A_72 : memref<16x64xf32, #tpu.memory_space<vmem>>) target(%dma_start3A_77 : memref<10240x64xf32, #tpu.memory_space<vmem_shared>>) offsets(%dma_start3A_74 : memref<16xi32, #tpu.memory_space<vmem>>) semaphore(%run_scoped3A_69 : memref<!tpu.dma_semaphore, #tpu.memory_space<semaphore_mem>>) {add = true}
      %dma_wait3A_78 = arith.constant 0 : i32
      %dma_wait3A_79 = arith.constant 0 : i32
      %dma_wait3A_80 = tpu.memref_slice %arg8[%dma_wait3A_78, %dma_wait3A_79] : memref<128x64xf32, #tpu.memory_space<vmem>> -> memref<16x64xf32, #tpu.memory_space<vmem>>
      %dma_wait3A_81 = arith.constant 9984 : i32
      %dma_wait3A_82 = tpu.memref_slice %arg6[%dma_wait3A_81] : memref<10000xi32, #tpu.memory_space<vmem>> -> memref<16xi32, #tpu.memory_space<vmem>>
      %dma_wait3A_83 = arith.constant 0 : i32
      %dma_wait3A_84 = arith.constant 0 : i32
      %dma_wait3A_85 = tpu.memref_slice %arg10[%dma_wait3A_83, %dma_wait3A_84] : memref<10240x64xf32, #tpu.memory_space<vmem_shared>> -> memref<10240x64xf32, #tpu.memory_space<vmem_shared>>
      tpu.wait_indirect_dma semaphore(%run_scoped3A_69 : memref<!tpu.dma_semaphore, #tpu.memory_space<semaphore_mem>>) src(%dma_wait3A_80 : memref<16x64xf32, #tpu.memory_space<vmem>>) dst(%dma_wait3A_85 : memref<10240x64xf32, #tpu.memory_space<vmem_shared>>)
      tpu.yield
    }) : () -> ()
    %barrier3A_64 = arith.constant 0 : index
    tpu.barrier barrier_id(%barrier3A_64)
    %mul3A_65 = arith.constant 640 : i32
    %mul3A_66 = arith.muli %arg1, %mul3A_65 : i32
    %mul3A_67 = arith.constant 64 : i32
    %mul3A_68 = arith.muli %mul3A_67, %arg0 : i32
    "tpu.region"() ({
      %run_scoped3A_69 = tpu.sem_alloc : memref<!tpu.dma_semaphore, #tpu.memory_space<semaphore_mem>>
      %dma_start3A_70 = tpu.memref_slice %arg4[%mul3A_66, %mul3A_68] : memref<10240x128xf32, #tpu.memory_space<hbm>> -> memref<640x64xf32, #tpu.memory_space<hbm>>
      %dma_start3A_71 = arith.constant 0 : i32
      %dma_start3A_72 = tpu.memref_slice %arg10[%mul3A_66, %dma_start3A_71] : memref<10240x64xf32, #tpu.memory_space<vmem_shared>> -> memref<640x64xf32, #tpu.memory_space<vmem_shared>>
      tpu.enqueue_dma source(%dma_start3A_72 : memref<640x64xf32, #tpu.memory_space<vmem_shared>>) target(%dma_start3A_70 : memref<640x64xf32, #tpu.memory_space<hbm>>) target_semaphore(%run_scoped3A_69 : memref<!tpu.dma_semaphore, #tpu.memory_space<semaphore_mem>>)
      %dma_wait3A_73 = tpu.memref_slice %arg4[%mul3A_66, %mul3A_68] : memref<10240x128xf32, #tpu.memory_space<hbm>> -> memref<640x64xf32, #tpu.memory_space<hbm>>
      %dma_wait3A_74 = arith.constant 0 : i32
      %dma_wait3A_75 = tpu.memref_slice %arg10[%mul3A_66, %dma_wait3A_74] : memref<10240x64xf32, #tpu.memory_space<vmem_shared>> -> memref<640x64xf32, #tpu.memory_space<vmem_shared>>
      tpu.wait_dma2 semaphore(%run_scoped3A_69 : memref<!tpu.dma_semaphore, #tpu.memory_space<semaphore_mem>>) src(%dma_wait3A_75 : memref<640x64xf32, #tpu.memory_space<vmem_shared>>) dst(%dma_wait3A_73 : memref<640x64xf32, #tpu.memory_space<hbm>>)
      tpu.yield
    }) : () -> ()
    return
  }
}

#map = affine_map<(d0, d1) -> (0, 0)>
module attributes {stable_mosaic.version = 14 : i64} {
  func.func @agg(%arg0: i32, %arg1: i32, %arg2: memref<10000x32xf32, #tpu.memory_space<hbm>>, %arg3: memref<2x320000xi32, #tpu.memory_space<hbm>>, %arg4: memref<10240x128xf32, #tpu.memory_space<hbm>>, %arg5: memref<10000xi32, #tpu.memory_space<vmem>>, %arg6: memref<10000xi32, #tpu.memory_space<vmem>>, %arg7: memref<128x32xf32, #tpu.memory_space<vmem>>, %arg8: memref<128x32xf32, #tpu.memory_space<vmem>>, %arg9: memref<128x32xf32, #tpu.memory_space<vmem>>, %arg10: memref<10240x32xf32, #tpu.memory_space<vmem_shared>>, %arg11: memref<!tpu.dma_semaphore, #tpu.memory_space<semaphore_mem>>, %arg12: memref<!tpu.dma_semaphore, #tpu.memory_space<semaphore_mem>>) attributes {dimension_semantics = [#tpu.dimension_semantics<core_parallel>, #tpu.dimension_semantics<subcore_parallel>], iteration_bounds = array<i64: 2, 16>, scalar_prefetch = 0 : i64, scratch_operands = 8 : i64, tpu.core_type = #tpu.core_type<sc_vector_subcore>, window_params = [{transform_indices = #map}, {transform_indices = #map}, {transform_indices = #map}]} {
    %mul3A = arith.constant 2 : i32
    %mul3A_0 = arith.muli %arg1, %mul3A : i32
    %add3A = arith.addi %mul3A_0, %arg0 : i32
    %mul3A_1 = arith.constant 10000 : i32
    %mul3A_2 = arith.muli %add3A, %mul3A_1 : i32
    %run_scoped3A = arith.constant 0 : i32
    "tpu.region"() ({
      %run_scoped3A_69 = tpu.sem_alloc : memref<!tpu.dma_semaphore, #tpu.memory_space<semaphore_mem>>
      %dma_start3A_70 = tpu.memref_slice %arg3[%run_scoped3A, %mul3A_2] : memref<2x320000xi32, #tpu.memory_space<hbm>> -> memref<1x10000xi32, #tpu.memory_space<hbm>>
      %dma_start3A_71 = tpu.memref_squeeze %dma_start3A_70 : memref<1x10000xi32, #tpu.memory_space<hbm>> -> memref<10000xi32, #tpu.memory_space<hbm>>
      %dma_start3A_72 = tpu.memref_slice %arg3[%run_scoped3A, %mul3A_2] : memref<2x320000xi32, #tpu.memory_space<hbm>> -> memref<1x10000xi32, #tpu.memory_space<hbm>>
      %dma_start3A_73 = tpu.memref_squeeze %dma_start3A_72 : memref<1x10000xi32, #tpu.memory_space<hbm>> -> memref<10000xi32, #tpu.memory_space<hbm>>
      tpu.enqueue_dma source(%dma_start3A_73 : memref<10000xi32, #tpu.memory_space<hbm>>) target(%arg5 : memref<10000xi32, #tpu.memory_space<vmem>>) target_semaphore(%run_scoped3A_69 : memref<!tpu.dma_semaphore, #tpu.memory_space<semaphore_mem>>)
      %dma_wait3A_74 = tpu.memref_slice %arg3[%run_scoped3A, %mul3A_2] : memref<2x320000xi32, #tpu.memory_space<hbm>> -> memref<1x10000xi32, #tpu.memory_space<hbm>>
      %dma_wait3A_75 = tpu.memref_squeeze %dma_wait3A_74 : memref<1x10000xi32, #tpu.memory_space<hbm>> -> memref<10000xi32, #tpu.memory_space<hbm>>
      %dma_wait3A_76 = tpu.memref_slice %arg3[%run_scoped3A, %mul3A_2] : memref<2x320000xi32, #tpu.memory_space<hbm>> -> memref<1x10000xi32, #tpu.memory_space<hbm>>
      %dma_wait3A_77 = tpu.memref_squeeze %dma_wait3A_76 : memref<1x10000xi32, #tpu.memory_space<hbm>> -> memref<10000xi32, #tpu.memory_space<hbm>>
      tpu.wait_dma2 semaphore(%run_scoped3A_69 : memref<!tpu.dma_semaphore, #tpu.memory_space<semaphore_mem>>) src(%dma_wait3A_77 : memref<10000xi32, #tpu.memory_space<hbm>>) dst(%arg5 : memref<10000xi32, #tpu.memory_space<vmem>>)
      tpu.yield
    }) : () -> ()
    %run_scoped3A_3 = arith.constant 1 : i32
    "tpu.region"() ({
      %run_scoped3A_69 = tpu.sem_alloc : memref<!tpu.dma_semaphore, #tpu.memory_space<semaphore_mem>>
      %dma_start3A_70 = tpu.memref_slice %arg3[%run_scoped3A_3, %mul3A_2] : memref<2x320000xi32, #tpu.memory_space<hbm>> -> memref<1x10000xi32, #tpu.memory_space<hbm>>
      %dma_start3A_71 = tpu.memref_squeeze %dma_start3A_70 : memref<1x10000xi32, #tpu.memory_space<hbm>> -> memref<10000xi32, #tpu.memory_space<hbm>>
      %dma_start3A_72 = tpu.memref_slice %arg3[%run_scoped3A_3, %mul3A_2] : memref<2x320000xi32, #tpu.memory_space<hbm>> -> memref<1x10000xi32, #tpu.memory_space<hbm>>
      %dma_start3A_73 = tpu.memref_squeeze %dma_start3A_72 : memref<1x10000xi32, #tpu.memory_space<hbm>> -> memref<10000xi32, #tpu.memory_space<hbm>>
      tpu.enqueue_dma source(%dma_start3A_73 : memref<10000xi32, #tpu.memory_space<hbm>>) target(%arg6 : memref<10000xi32, #tpu.memory_space<vmem>>) target_semaphore(%run_scoped3A_69 : memref<!tpu.dma_semaphore, #tpu.memory_space<semaphore_mem>>)
      %dma_wait3A_74 = tpu.memref_slice %arg3[%run_scoped3A_3, %mul3A_2] : memref<2x320000xi32, #tpu.memory_space<hbm>> -> memref<1x10000xi32, #tpu.memory_space<hbm>>
      %dma_wait3A_75 = tpu.memref_squeeze %dma_wait3A_74 : memref<1x10000xi32, #tpu.memory_space<hbm>> -> memref<10000xi32, #tpu.memory_space<hbm>>
      %dma_wait3A_76 = tpu.memref_slice %arg3[%run_scoped3A_3, %mul3A_2] : memref<2x320000xi32, #tpu.memory_space<hbm>> -> memref<1x10000xi32, #tpu.memory_space<hbm>>
      %dma_wait3A_77 = tpu.memref_squeeze %dma_wait3A_76 : memref<1x10000xi32, #tpu.memory_space<hbm>> -> memref<10000xi32, #tpu.memory_space<hbm>>
      tpu.wait_dma2 semaphore(%run_scoped3A_69 : memref<!tpu.dma_semaphore, #tpu.memory_space<semaphore_mem>>) src(%dma_wait3A_77 : memref<10000xi32, #tpu.memory_space<hbm>>) dst(%arg6 : memref<10000xi32, #tpu.memory_space<vmem>>)
      tpu.yield
    }) : () -> ()
    %broadcast_in_dim3A = arith.constant 0.000000e+00 : f32
    %broadcast_in_dim3A_4 = vector.broadcast %broadcast_in_dim3A : f32 to vector<16xf32>
    %scan3A = arith.constant 0 : i32
    %scan3A_5 = arith.constant 0 : i32
    %scan3A_6 = arith.constant 128 : i32
    %scan3A_7 = arith.addi %scan3A_5, %scan3A_6 : i32
    %scan3A_8 = arith.constant 1 : i32
    %scan3A_9 = scf.for %scan3A_69 = %scan3A_5 to %scan3A_7 step %scan3A_8 iter_args(%scan3A_70 = %scan3A) -> (i32)  : i32 {
      %swap3A = arith.index_cast %scan3A_69 : i32 to index
      %swap3A_71 = arith.constant 0 : index
      %swap3A_72 = tpu.vector_load %arg9[%swap3A, %swap3A_71] {strides = array<i32>} : memref<128x32xf32, #tpu.memory_space<vmem>>, vector<1x16xf32>,
      %swap3A_73 = vector.shape_cast %swap3A_72 : vector<1x16xf32> to vector<16xf32>
      %swap3A_74 = vector.shape_cast %broadcast_in_dim3A_4 : vector<16xf32> to vector<1x16xf32>
      tpu.vector_store %arg9[%swap3A, %swap3A_71], %swap3A_74 {strides = array<i32>} : memref<128x32xf32, #tpu.memory_space<vmem>>, vector<1x16xf32>,
      %swap3A_75 = arith.index_cast %scan3A_69 : i32 to index
      %swap3A_76 = arith.constant 16 : index
      %swap3A_77 = tpu.vector_load %arg9[%swap3A_75, %swap3A_76] {strides = array<i32>} : memref<128x32xf32, #tpu.memory_space<vmem>>, vector<1x16xf32>,
      %swap3A_78 = vector.shape_cast %swap3A_77 : vector<1x16xf32> to vector<16xf32>
      %swap3A_79 = vector.shape_cast %broadcast_in_dim3A_4 : vector<16xf32> to vector<1x16xf32>
      tpu.vector_store %arg9[%swap3A_75, %swap3A_76], %swap3A_79 {strides = array<i32>} : memref<128x32xf32, #tpu.memory_space<vmem>>, vector<1x16xf32>,
      %scan3A_80 = arith.constant 0 : i32
      scf.yield %scan3A_80 : i32
    }
    %scan3A_10 = arith.constant 128 : i32
    %mul3A_11 = arith.constant 640 : i32
    %mul3A_12 = arith.muli %arg1, %mul3A_11 : i32
    %add3A_13 = arith.constant 0 : i32
    %add3A_14 = arith.addi %mul3A_12, %add3A_13 : i32
    "tpu.region"() ({
      %run_scoped3A_69 = tpu.sem_alloc : memref<!tpu.dma_semaphore, #tpu.memory_space<semaphore_mem>>
      %dma_start3A_70 = arith.constant 0 : i32
      %dma_start3A_71 = tpu.memref_slice %arg10[%add3A_14, %dma_start3A_70] : memref<10240x32xf32, #tpu.memory_space<vmem_shared>> -> memref<128x32xf32, #tpu.memory_space<vmem_shared>>
      %dma_start3A_72 = arith.constant 0 : i32
      %dma_start3A_73 = tpu.memref_slice %arg10[%add3A_14, %dma_start3A_72] : memref<10240x32xf32, #tpu.memory_space<vmem_shared>> -> memref<128x32xf32, #tpu.memory_space<vmem_shared>>
      tpu.enqueue_dma source(%arg9 : memref<128x32xf32, #tpu.memory_space<vmem>>) target(%dma_start3A_73 : memref<128x32xf32, #tpu.memory_space<vmem_shared>>) target_semaphore(%run_scoped3A_69 : memref<!tpu.dma_semaphore, #tpu.memory_space<semaphore_mem>>)
      %dma_wait3A_74 = arith.constant 0 : i32
      %dma_wait3A_75 = tpu.memref_slice %arg10[%add3A_14, %dma_wait3A_74] : memref<10240x32xf32, #tpu.memory_space<vmem_shared>> -> memref<128x32xf32, #tpu.memory_space<vmem_shared>>
      %dma_wait3A_76 = arith.constant 0 : i32
      %dma_wait3A_77 = tpu.memref_slice %arg10[%add3A_14, %dma_wait3A_76] : memref<10240x32xf32, #tpu.memory_space<vmem_shared>> -> memref<128x32xf32, #tpu.memory_space<vmem_shared>>
      tpu.wait_dma2 semaphore(%run_scoped3A_69 : memref<!tpu.dma_semaphore, #tpu.memory_space<semaphore_mem>>) src(%arg9 : memref<128x32xf32, #tpu.memory_space<vmem>>) dst(%dma_wait3A_77 : memref<128x32xf32, #tpu.memory_space<vmem_shared>>)
      tpu.yield
    }) : () -> ()
    %add3A_15 = arith.constant 128 : i32
    %add3A_16 = arith.addi %mul3A_12, %add3A_15 : i32
    "tpu.region"() ({
      %run_scoped3A_69 = tpu.sem_alloc : memref<!tpu.dma_semaphore, #tpu.memory_space<semaphore_mem>>
      %dma_start3A_70 = arith.constant 0 : i32
      %dma_start3A_71 = tpu.memref_slice %arg10[%add3A_16, %dma_start3A_70] : memref<10240x32xf32, #tpu.memory_space<vmem_shared>> -> memref<128x32xf32, #tpu.memory_space<vmem_shared>>
      %dma_start3A_72 = arith.constant 0 : i32
      %dma_start3A_73 = tpu.memref_slice %arg10[%add3A_16, %dma_start3A_72] : memref<10240x32xf32, #tpu.memory_space<vmem_shared>> -> memref<128x32xf32, #tpu.memory_space<vmem_shared>>
      tpu.enqueue_dma source(%arg9 : memref<128x32xf32, #tpu.memory_space<vmem>>) target(%dma_start3A_73 : memref<128x32xf32, #tpu.memory_space<vmem_shared>>) target_semaphore(%run_scoped3A_69 : memref<!tpu.dma_semaphore, #tpu.memory_space<semaphore_mem>>)
      %dma_wait3A_74 = arith.constant 0 : i32
      %dma_wait3A_75 = tpu.memref_slice %arg10[%add3A_16, %dma_wait3A_74] : memref<10240x32xf32, #tpu.memory_space<vmem_shared>> -> memref<128x32xf32, #tpu.memory_space<vmem_shared>>
      %dma_wait3A_76 = arith.constant 0 : i32
      %dma_wait3A_77 = tpu.memref_slice %arg10[%add3A_16, %dma_wait3A_76] : memref<10240x32xf32, #tpu.memory_space<vmem_shared>> -> memref<128x32xf32, #tpu.memory_space<vmem_shared>>
      tpu.wait_dma2 semaphore(%run_scoped3A_69 : memref<!tpu.dma_semaphore, #tpu.memory_space<semaphore_mem>>) src(%arg9 : memref<128x32xf32, #tpu.memory_space<vmem>>) dst(%dma_wait3A_77 : memref<128x32xf32, #tpu.memory_space<vmem_shared>>)
      tpu.yield
    }) : () -> ()
    %add3A_17 = arith.constant 256 : i32
    %add3A_18 = arith.addi %mul3A_12, %add3A_17 : i32
    "tpu.region"() ({
      %run_scoped3A_69 = tpu.sem_alloc : memref<!tpu.dma_semaphore, #tpu.memory_space<semaphore_mem>>
      %dma_start3A_70 = arith.constant 0 : i32
      %dma_start3A_71 = tpu.memref_slice %arg10[%add3A_18, %dma_start3A_70] : memref<10240x32xf32, #tpu.memory_space<vmem_shared>> -> memref<128x32xf32, #tpu.memory_space<vmem_shared>>
      %dma_start3A_72 = arith.constant 0 : i32
      %dma_start3A_73 = tpu.memref_slice %arg10[%add3A_18, %dma_start3A_72] : memref<10240x32xf32, #tpu.memory_space<vmem_shared>> -> memref<128x32xf32, #tpu.memory_space<vmem_shared>>
      tpu.enqueue_dma source(%arg9 : memref<128x32xf32, #tpu.memory_space<vmem>>) target(%dma_start3A_73 : memref<128x32xf32, #tpu.memory_space<vmem_shared>>) target_semaphore(%run_scoped3A_69 : memref<!tpu.dma_semaphore, #tpu.memory_space<semaphore_mem>>)
      %dma_wait3A_74 = arith.constant 0 : i32
      %dma_wait3A_75 = tpu.memref_slice %arg10[%add3A_18, %dma_wait3A_74] : memref<10240x32xf32, #tpu.memory_space<vmem_shared>> -> memref<128x32xf32, #tpu.memory_space<vmem_shared>>
      %dma_wait3A_76 = arith.constant 0 : i32
      %dma_wait3A_77 = tpu.memref_slice %arg10[%add3A_18, %dma_wait3A_76] : memref<10240x32xf32, #tpu.memory_space<vmem_shared>> -> memref<128x32xf32, #tpu.memory_space<vmem_shared>>
      tpu.wait_dma2 semaphore(%run_scoped3A_69 : memref<!tpu.dma_semaphore, #tpu.memory_space<semaphore_mem>>) src(%arg9 : memref<128x32xf32, #tpu.memory_space<vmem>>) dst(%dma_wait3A_77 : memref<128x32xf32, #tpu.memory_space<vmem_shared>>)
      tpu.yield
    }) : () -> ()
    %add3A_19 = arith.constant 384 : i32
    %add3A_20 = arith.addi %mul3A_12, %add3A_19 : i32
    "tpu.region"() ({
      %run_scoped3A_69 = tpu.sem_alloc : memref<!tpu.dma_semaphore, #tpu.memory_space<semaphore_mem>>
      %dma_start3A_70 = arith.constant 0 : i32
      %dma_start3A_71 = tpu.memref_slice %arg10[%add3A_20, %dma_start3A_70] : memref<10240x32xf32, #tpu.memory_space<vmem_shared>> -> memref<128x32xf32, #tpu.memory_space<vmem_shared>>
      %dma_start3A_72 = arith.constant 0 : i32
      %dma_start3A_73 = tpu.memref_slice %arg10[%add3A_20, %dma_start3A_72] : memref<10240x32xf32, #tpu.memory_space<vmem_shared>> -> memref<128x32xf32, #tpu.memory_space<vmem_shared>>
      tpu.enqueue_dma source(%arg9 : memref<128x32xf32, #tpu.memory_space<vmem>>) target(%dma_start3A_73 : memref<128x32xf32, #tpu.memory_space<vmem_shared>>) target_semaphore(%run_scoped3A_69 : memref<!tpu.dma_semaphore, #tpu.memory_space<semaphore_mem>>)
      %dma_wait3A_74 = arith.constant 0 : i32
      %dma_wait3A_75 = tpu.memref_slice %arg10[%add3A_20, %dma_wait3A_74] : memref<10240x32xf32, #tpu.memory_space<vmem_shared>> -> memref<128x32xf32, #tpu.memory_space<vmem_shared>>
      %dma_wait3A_76 = arith.constant 0 : i32
      %dma_wait3A_77 = tpu.memref_slice %arg10[%add3A_20, %dma_wait3A_76] : memref<10240x32xf32, #tpu.memory_space<vmem_shared>> -> memref<128x32xf32, #tpu.memory_space<vmem_shared>>
      tpu.wait_dma2 semaphore(%run_scoped3A_69 : memref<!tpu.dma_semaphore, #tpu.memory_space<semaphore_mem>>) src(%arg9 : memref<128x32xf32, #tpu.memory_space<vmem>>) dst(%dma_wait3A_77 : memref<128x32xf32, #tpu.memory_space<vmem_shared>>)
      tpu.yield
    }) : () -> ()
    %add3A_21 = arith.constant 512 : i32
    %add3A_22 = arith.addi %mul3A_12, %add3A_21 : i32
    "tpu.region"() ({
      %run_scoped3A_69 = tpu.sem_alloc : memref<!tpu.dma_semaphore, #tpu.memory_space<semaphore_mem>>
      %dma_start3A_70 = arith.constant 0 : i32
      %dma_start3A_71 = tpu.memref_slice %arg10[%add3A_22, %dma_start3A_70] : memref<10240x32xf32, #tpu.memory_space<vmem_shared>> -> memref<128x32xf32, #tpu.memory_space<vmem_shared>>
      %dma_start3A_72 = arith.constant 0 : i32
      %dma_start3A_73 = tpu.memref_slice %arg10[%add3A_22, %dma_start3A_72] : memref<10240x32xf32, #tpu.memory_space<vmem_shared>> -> memref<128x32xf32, #tpu.memory_space<vmem_shared>>
      tpu.enqueue_dma source(%arg9 : memref<128x32xf32, #tpu.memory_space<vmem>>) target(%dma_start3A_73 : memref<128x32xf32, #tpu.memory_space<vmem_shared>>) target_semaphore(%run_scoped3A_69 : memref<!tpu.dma_semaphore, #tpu.memory_space<semaphore_mem>>)
      %dma_wait3A_74 = arith.constant 0 : i32
      %dma_wait3A_75 = tpu.memref_slice %arg10[%add3A_22, %dma_wait3A_74] : memref<10240x32xf32, #tpu.memory_space<vmem_shared>> -> memref<128x32xf32, #tpu.memory_space<vmem_shared>>
      %dma_wait3A_76 = arith.constant 0 : i32
      %dma_wait3A_77 = tpu.memref_slice %arg10[%add3A_22, %dma_wait3A_76] : memref<10240x32xf32, #tpu.memory_space<vmem_shared>> -> memref<128x32xf32, #tpu.memory_space<vmem_shared>>
      tpu.wait_dma2 semaphore(%run_scoped3A_69 : memref<!tpu.dma_semaphore, #tpu.memory_space<semaphore_mem>>) src(%arg9 : memref<128x32xf32, #tpu.memory_space<vmem>>) dst(%dma_wait3A_77 : memref<128x32xf32, #tpu.memory_space<vmem_shared>>)
      tpu.yield
    }) : () -> ()
    %barrier3A = arith.constant 0 : index
    tpu.barrier barrier_id(%barrier3A)
    %dma_start3A = arith.constant 0 : i32
    %dma_start3A_23 = tpu.memref_slice %arg5[%dma_start3A] : memref<10000xi32, #tpu.memory_space<vmem>> -> memref<128xi32, #tpu.memory_space<vmem>>
    %dma_start3A_24 = arith.constant 0 : i32
    %dma_start3A_25 = arith.constant 0 : i32
    %dma_start3A_26 = tpu.memref_slice %arg2[%dma_start3A_24, %dma_start3A_25] : memref<10000x32xf32, #tpu.memory_space<hbm>> -> memref<10000x32xf32, #tpu.memory_space<hbm>>
    tpu.enqueue_indirect_dma source(%dma_start3A_26 : memref<10000x32xf32, #tpu.memory_space<hbm>>) target(%arg7 : memref<128x32xf32, #tpu.memory_space<vmem>>) offsets(%dma_start3A_23 : memref<128xi32, #tpu.memory_space<vmem>>) semaphore(%arg11 : memref<!tpu.dma_semaphore, #tpu.memory_space<semaphore_mem>>)
    %dma_start3A_27 = arith.constant 128 : i32
    %dma_start3A_28 = tpu.memref_slice %arg5[%dma_start3A_27] : memref<10000xi32, #tpu.memory_space<vmem>> -> memref<128xi32, #tpu.memory_space<vmem>>
    %dma_start3A_29 = arith.constant 0 : i32
    %dma_start3A_30 = arith.constant 0 : i32
    %dma_start3A_31 = tpu.memref_slice %arg2[%dma_start3A_29, %dma_start3A_30] : memref<10000x32xf32, #tpu.memory_space<hbm>> -> memref<10000x32xf32, #tpu.memory_space<hbm>>
    tpu.enqueue_indirect_dma source(%dma_start3A_31 : memref<10000x32xf32, #tpu.memory_space<hbm>>) target(%arg8 : memref<128x32xf32, #tpu.memory_space<vmem>>) offsets(%dma_start3A_28 : memref<128xi32, #tpu.memory_space<vmem>>) semaphore(%arg12 : memref<!tpu.dma_semaphore, #tpu.memory_space<semaphore_mem>>)
    %scan3A_32 = arith.constant 0 : i32
    %scan3A_33 = arith.constant 0 : i32
    %scan3A_34 = arith.constant 38 : i32
    %scan3A_35 = arith.addi %scan3A_33, %scan3A_34 : i32
    %scan3A_36 = arith.constant 1 : i32
    %scan3A_37 = scf.for %scan3A_69 = %scan3A_33 to %scan3A_35 step %scan3A_36 iter_args(%scan3A_70 = %scan3A_32) -> (i32)  : i32 {
      %mul3A_71 = arith.constant 2 : i32
      %mul3A_72 = arith.muli %mul3A_71, %scan3A_69 : i32
      %add3A_73 = arith.constant 1 : i32
      %add3A_74 = arith.addi %mul3A_72, %add3A_73 : i32
      %mul3A_75 = arith.constant 128 : i32
      %mul3A_76 = arith.muli %mul3A_72, %mul3A_75 : i32
      %dma_wait3A_77 = tpu.memref_slice %arg5[%mul3A_76] : memref<10000xi32, #tpu.memory_space<vmem>> -> memref<128xi32, #tpu.memory_space<vmem>>
      %dma_wait3A_78 = arith.constant 0 : i32
      %dma_wait3A_79 = arith.constant 0 : i32
      %dma_wait3A_80 = tpu.memref_slice %arg2[%dma_wait3A_78, %dma_wait3A_79] : memref<10000x32xf32, #tpu.memory_space<hbm>> -> memref<10000x32xf32, #tpu.memory_space<hbm>>
      tpu.wait_indirect_dma semaphore(%arg11 : memref<!tpu.dma_semaphore, #tpu.memory_space<semaphore_mem>>) src(%dma_wait3A_80 : memref<10000x32xf32, #tpu.memory_space<hbm>>) dst(%arg7 : memref<128x32xf32, #tpu.memory_space<vmem>>)
      %mul3A_81 = arith.constant 128 : i32
      %mul3A_82 = arith.muli %mul3A_72, %mul3A_81 : i32
      "tpu.region"() ({
        %run_scoped3A_108 = tpu.sem_alloc : memref<!tpu.dma_semaphore, #tpu.memory_space<semaphore_mem>>
        %dma_start3A_109 = tpu.memref_slice %arg6[%mul3A_82] : memref<10000xi32, #tpu.memory_space<vmem>> -> memref<128xi32, #tpu.memory_space<vmem>>
        %dma_start3A_110 = arith.constant 0 : i32
        %dma_start3A_111 = arith.constant 0 : i32
        %dma_start3A_112 = tpu.memref_slice %arg10[%dma_start3A_110, %dma_start3A_111] : memref<10240x32xf32, #tpu.memory_space<vmem_shared>> -> memref<10240x32xf32, #tpu.memory_space<vmem_shared>>
        tpu.enqueue_indirect_dma source(%arg7 : memref<128x32xf32, #tpu.memory_space<vmem>>) target(%dma_start3A_112 : memref<10240x32xf32, #tpu.memory_space<vmem_shared>>) offsets(%dma_start3A_109 : memref<128xi32, #tpu.memory_space<vmem>>) semaphore(%run_scoped3A_108 : memref<!tpu.dma_semaphore, #tpu.memory_space<semaphore_mem>>) {add = true}
        %dma_wait3A_113 = tpu.memref_slice %arg6[%mul3A_82] : memref<10000xi32, #tpu.memory_space<vmem>> -> memref<128xi32, #tpu.memory_space<vmem>>
        %dma_wait3A_114 = arith.constant 0 : i32
        %dma_wait3A_115 = arith.constant 0 : i32
        %dma_wait3A_116 = tpu.memref_slice %arg10[%dma_wait3A_114, %dma_wait3A_115] : memref<10240x32xf32, #tpu.memory_space<vmem_shared>> -> memref<10240x32xf32, #tpu.memory_space<vmem_shared>>
        tpu.wait_indirect_dma semaphore(%run_scoped3A_108 : memref<!tpu.dma_semaphore, #tpu.memory_space<semaphore_mem>>) src(%arg7 : memref<128x32xf32, #tpu.memory_space<vmem>>) dst(%dma_wait3A_116 : memref<10240x32xf32, #tpu.memory_space<vmem_shared>>)
        tpu.yield
      }) : () -> ()
      %add3A_83 = arith.constant 2 : i32
      %add3A_84 = arith.addi %mul3A_72, %add3A_83 : i32
      %mul3A_85 = arith.constant 128 : i32
      %mul3A_86 = arith.muli %add3A_84, %mul3A_85 : i32
      %dma_start3A_87 = tpu.memref_slice %arg5[%mul3A_86] : memref<10000xi32, #tpu.memory_space<vmem>> -> memref<128xi32, #tpu.memory_space<vmem>>
      %dma_start3A_88 = arith.constant 0 : i32
      %dma_start3A_89 = arith.constant 0 : i32
      %dma_start3A_90 = tpu.memref_slice %arg2[%dma_start3A_88, %dma_start3A_89] : memref<10000x32xf32, #tpu.memory_space<hbm>> -> memref<10000x32xf32, #tpu.memory_space<hbm>>
      tpu.enqueue_indirect_dma source(%dma_start3A_90 : memref<10000x32xf32, #tpu.memory_space<hbm>>) target(%arg7 : memref<128x32xf32, #tpu.memory_space<vmem>>) offsets(%dma_start3A_87 : memref<128xi32, #tpu.memory_space<vmem>>) semaphore(%arg11 : memref<!tpu.dma_semaphore, #tpu.memory_space<semaphore_mem>>)
      %mul3A_91 = arith.constant 128 : i32
      %mul3A_92 = arith.muli %add3A_74, %mul3A_91 : i32
      %dma_wait3A_93 = tpu.memref_slice %arg5[%mul3A_92] : memref<10000xi32, #tpu.memory_space<vmem>> -> memref<128xi32, #tpu.memory_space<vmem>>
      %dma_wait3A_94 = arith.constant 0 : i32
      %dma_wait3A_95 = arith.constant 0 : i32
      %dma_wait3A_96 = tpu.memref_slice %arg2[%dma_wait3A_94, %dma_wait3A_95] : memref<10000x32xf32, #tpu.memory_space<hbm>> -> memref<10000x32xf32, #tpu.memory_space<hbm>>
      tpu.wait_indirect_dma semaphore(%arg12 : memref<!tpu.dma_semaphore, #tpu.memory_space<semaphore_mem>>) src(%dma_wait3A_96 : memref<10000x32xf32, #tpu.memory_space<hbm>>) dst(%arg8 : memref<128x32xf32, #tpu.memory_space<vmem>>)
      %mul3A_97 = arith.constant 128 : i32
      %mul3A_98 = arith.muli %add3A_74, %mul3A_97 : i32
      "tpu.region"() ({
        %run_scoped3A_108 = tpu.sem_alloc : memref<!tpu.dma_semaphore, #tpu.memory_space<semaphore_mem>>
        %dma_start3A_109 = tpu.memref_slice %arg6[%mul3A_98] : memref<10000xi32, #tpu.memory_space<vmem>> -> memref<128xi32, #tpu.memory_space<vmem>>
        %dma_start3A_110 = arith.constant 0 : i32
        %dma_start3A_111 = arith.constant 0 : i32
        %dma_start3A_112 = tpu.memref_slice %arg10[%dma_start3A_110, %dma_start3A_111] : memref<10240x32xf32, #tpu.memory_space<vmem_shared>> -> memref<10240x32xf32, #tpu.memory_space<vmem_shared>>
        tpu.enqueue_indirect_dma source(%arg8 : memref<128x32xf32, #tpu.memory_space<vmem>>) target(%dma_start3A_112 : memref<10240x32xf32, #tpu.memory_space<vmem_shared>>) offsets(%dma_start3A_109 : memref<128xi32, #tpu.memory_space<vmem>>) semaphore(%run_scoped3A_108 : memref<!tpu.dma_semaphore, #tpu.memory_space<semaphore_mem>>) {add = true}
        %dma_wait3A_113 = tpu.memref_slice %arg6[%mul3A_98] : memref<10000xi32, #tpu.memory_space<vmem>> -> memref<128xi32, #tpu.memory_space<vmem>>
        %dma_wait3A_114 = arith.constant 0 : i32
        %dma_wait3A_115 = arith.constant 0 : i32
        %dma_wait3A_116 = tpu.memref_slice %arg10[%dma_wait3A_114, %dma_wait3A_115] : memref<10240x32xf32, #tpu.memory_space<vmem_shared>> -> memref<10240x32xf32, #tpu.memory_space<vmem_shared>>
        tpu.wait_indirect_dma semaphore(%run_scoped3A_108 : memref<!tpu.dma_semaphore, #tpu.memory_space<semaphore_mem>>) src(%arg8 : memref<128x32xf32, #tpu.memory_space<vmem>>) dst(%dma_wait3A_116 : memref<10240x32xf32, #tpu.memory_space<vmem_shared>>)
        tpu.yield
      }) : () -> ()
      %add3A_99 = arith.constant 2 : i32
      %add3A_100 = arith.addi %add3A_74, %add3A_99 : i32
      %mul3A_101 = arith.constant 128 : i32
      %mul3A_102 = arith.muli %add3A_100, %mul3A_101 : i32
      %dma_start3A_103 = tpu.memref_slice %arg5[%mul3A_102] : memref<10000xi32, #tpu.memory_space<vmem>> -> memref<128xi32, #tpu.memory_space<vmem>>
      %dma_start3A_104 = arith.constant 0 : i32
      %dma_start3A_105 = arith.constant 0 : i32
      %dma_start3A_106 = tpu.memref_slice %arg2[%dma_start3A_104, %dma_start3A_105] : memref<10000x32xf32, #tpu.memory_space<hbm>> -> memref<10000x32xf32, #tpu.memory_space<hbm>>
      tpu.enqueue_indirect_dma source(%dma_start3A_106 : memref<10000x32xf32, #tpu.memory_space<hbm>>) target(%arg8 : memref<128x32xf32, #tpu.memory_space<vmem>>) offsets(%dma_start3A_103 : memref<128xi32, #tpu.memory_space<vmem>>) semaphore(%arg12 : memref<!tpu.dma_semaphore, #tpu.memory_space<semaphore_mem>>)
      %scan3A_107 = arith.constant 0 : i32
      scf.yield %scan3A_107 : i32
    }
    %scan3A_38 = arith.constant 38 : i32
    %dma_wait3A = arith.constant 9728 : i32
    %dma_wait3A_39 = tpu.memref_slice %arg5[%dma_wait3A] : memref<10000xi32, #tpu.memory_space<vmem>> -> memref<128xi32, #tpu.memory_space<vmem>>
    %dma_wait3A_40 = arith.constant 0 : i32
    %dma_wait3A_41 = arith.constant 0 : i32
    %dma_wait3A_42 = tpu.memref_slice %arg2[%dma_wait3A_40, %dma_wait3A_41] : memref<10000x32xf32, #tpu.memory_space<hbm>> -> memref<10000x32xf32, #tpu.memory_space<hbm>>
    tpu.wait_indirect_dma semaphore(%arg11 : memref<!tpu.dma_semaphore, #tpu.memory_space<semaphore_mem>>) src(%dma_wait3A_42 : memref<10000x32xf32, #tpu.memory_space<hbm>>) dst(%arg7 : memref<128x32xf32, #tpu.memory_space<vmem>>)
    "tpu.region"() ({
      %run_scoped3A_69 = tpu.sem_alloc : memref<!tpu.dma_semaphore, #tpu.memory_space<semaphore_mem>>
      %dma_start3A_70 = arith.constant 9728 : i32
      %dma_start3A_71 = tpu.memref_slice %arg6[%dma_start3A_70] : memref<10000xi32, #tpu.memory_space<vmem>> -> memref<128xi32, #tpu.memory_space<vmem>>
      %dma_start3A_72 = arith.constant 0 : i32
      %dma_start3A_73 = arith.constant 0 : i32
      %dma_start3A_74 = tpu.memref_slice %arg10[%dma_start3A_72, %dma_start3A_73] : memref<10240x32xf32, #tpu.memory_space<vmem_shared>> -> memref<10240x32xf32, #tpu.memory_space<vmem_shared>>
      tpu.enqueue_indirect_dma source(%arg7 : memref<128x32xf32, #tpu.memory_space<vmem>>) target(%dma_start3A_74 : memref<10240x32xf32, #tpu.memory_space<vmem_shared>>) offsets(%dma_start3A_71 : memref<128xi32, #tpu.memory_space<vmem>>) semaphore(%run_scoped3A_69 : memref<!tpu.dma_semaphore, #tpu.memory_space<semaphore_mem>>) {add = true}
      %dma_wait3A_75 = arith.constant 9728 : i32
      %dma_wait3A_76 = tpu.memref_slice %arg6[%dma_wait3A_75] : memref<10000xi32, #tpu.memory_space<vmem>> -> memref<128xi32, #tpu.memory_space<vmem>>
      %dma_wait3A_77 = arith.constant 0 : i32
      %dma_wait3A_78 = arith.constant 0 : i32
      %dma_wait3A_79 = tpu.memref_slice %arg10[%dma_wait3A_77, %dma_wait3A_78] : memref<10240x32xf32, #tpu.memory_space<vmem_shared>> -> memref<10240x32xf32, #tpu.memory_space<vmem_shared>>
      tpu.wait_indirect_dma semaphore(%run_scoped3A_69 : memref<!tpu.dma_semaphore, #tpu.memory_space<semaphore_mem>>) src(%arg7 : memref<128x32xf32, #tpu.memory_space<vmem>>) dst(%dma_wait3A_79 : memref<10240x32xf32, #tpu.memory_space<vmem_shared>>)
      tpu.yield
    }) : () -> ()
    %dma_wait3A_43 = arith.constant 9856 : i32
    %dma_wait3A_44 = tpu.memref_slice %arg5[%dma_wait3A_43] : memref<10000xi32, #tpu.memory_space<vmem>> -> memref<128xi32, #tpu.memory_space<vmem>>
    %dma_wait3A_45 = arith.constant 0 : i32
    %dma_wait3A_46 = arith.constant 0 : i32
    %dma_wait3A_47 = tpu.memref_slice %arg2[%dma_wait3A_45, %dma_wait3A_46] : memref<10000x32xf32, #tpu.memory_space<hbm>> -> memref<10000x32xf32, #tpu.memory_space<hbm>>
    tpu.wait_indirect_dma semaphore(%arg12 : memref<!tpu.dma_semaphore, #tpu.memory_space<semaphore_mem>>) src(%dma_wait3A_47 : memref<10000x32xf32, #tpu.memory_space<hbm>>) dst(%arg8 : memref<128x32xf32, #tpu.memory_space<vmem>>)
    "tpu.region"() ({
      %run_scoped3A_69 = tpu.sem_alloc : memref<!tpu.dma_semaphore, #tpu.memory_space<semaphore_mem>>
      %dma_start3A_70 = arith.constant 9856 : i32
      %dma_start3A_71 = tpu.memref_slice %arg6[%dma_start3A_70] : memref<10000xi32, #tpu.memory_space<vmem>> -> memref<128xi32, #tpu.memory_space<vmem>>
      %dma_start3A_72 = arith.constant 0 : i32
      %dma_start3A_73 = arith.constant 0 : i32
      %dma_start3A_74 = tpu.memref_slice %arg10[%dma_start3A_72, %dma_start3A_73] : memref<10240x32xf32, #tpu.memory_space<vmem_shared>> -> memref<10240x32xf32, #tpu.memory_space<vmem_shared>>
      tpu.enqueue_indirect_dma source(%arg8 : memref<128x32xf32, #tpu.memory_space<vmem>>) target(%dma_start3A_74 : memref<10240x32xf32, #tpu.memory_space<vmem_shared>>) offsets(%dma_start3A_71 : memref<128xi32, #tpu.memory_space<vmem>>) semaphore(%run_scoped3A_69 : memref<!tpu.dma_semaphore, #tpu.memory_space<semaphore_mem>>) {add = true}
      %dma_wait3A_75 = arith.constant 9856 : i32
      %dma_wait3A_76 = tpu.memref_slice %arg6[%dma_wait3A_75] : memref<10000xi32, #tpu.memory_space<vmem>> -> memref<128xi32, #tpu.memory_space<vmem>>
      %dma_wait3A_77 = arith.constant 0 : i32
      %dma_wait3A_78 = arith.constant 0 : i32
      %dma_wait3A_79 = tpu.memref_slice %arg10[%dma_wait3A_77, %dma_wait3A_78] : memref<10240x32xf32, #tpu.memory_space<vmem_shared>> -> memref<10240x32xf32, #tpu.memory_space<vmem_shared>>
      tpu.wait_indirect_dma semaphore(%run_scoped3A_69 : memref<!tpu.dma_semaphore, #tpu.memory_space<semaphore_mem>>) src(%arg8 : memref<128x32xf32, #tpu.memory_space<vmem>>) dst(%dma_wait3A_79 : memref<10240x32xf32, #tpu.memory_space<vmem_shared>>)
      tpu.yield
    }) : () -> ()
    %dma_start3A_48 = arith.constant 0 : i32
    %dma_start3A_49 = arith.constant 0 : i32
    %dma_start3A_50 = tpu.memref_slice %arg8[%dma_start3A_48, %dma_start3A_49] : memref<128x32xf32, #tpu.memory_space<vmem>> -> memref<16x32xf32, #tpu.memory_space<vmem>>
    %dma_start3A_51 = arith.constant 9984 : i32
    %dma_start3A_52 = tpu.memref_slice %arg5[%dma_start3A_51] : memref<10000xi32, #tpu.memory_space<vmem>> -> memref<16xi32, #tpu.memory_space<vmem>>
    %dma_start3A_53 = arith.constant 0 : i32
    %dma_start3A_54 = arith.constant 0 : i32
    %dma_start3A_55 = tpu.memref_slice %arg2[%dma_start3A_53, %dma_start3A_54] : memref<10000x32xf32, #tpu.memory_space<hbm>> -> memref<10000x32xf32, #tpu.memory_space<hbm>>
    tpu.enqueue_indirect_dma source(%dma_start3A_55 : memref<10000x32xf32, #tpu.memory_space<hbm>>) target(%dma_start3A_50 : memref<16x32xf32, #tpu.memory_space<vmem>>) offsets(%dma_start3A_52 : memref<16xi32, #tpu.memory_space<vmem>>) semaphore(%arg11 : memref<!tpu.dma_semaphore, #tpu.memory_space<semaphore_mem>>)
    %dma_wait3A_56 = arith.constant 0 : i32
    %dma_wait3A_57 = arith.constant 0 : i32
    %dma_wait3A_58 = tpu.memref_slice %arg8[%dma_wait3A_56, %dma_wait3A_57] : memref<128x32xf32, #tpu.memory_space<vmem>> -> memref<16x32xf32, #tpu.memory_space<vmem>>
    %dma_wait3A_59 = arith.constant 9984 : i32
    %dma_wait3A_60 = tpu.memref_slice %arg5[%dma_wait3A_59] : memref<10000xi32, #tpu.memory_space<vmem>> -> memref<16xi32, #tpu.memory_space<vmem>>
    %dma_wait3A_61 = arith.constant 0 : i32
    %dma_wait3A_62 = arith.constant 0 : i32
    %dma_wait3A_63 = tpu.memref_slice %arg2[%dma_wait3A_61, %dma_wait3A_62] : memref<10000x32xf32, #tpu.memory_space<hbm>> -> memref<10000x32xf32, #tpu.memory_space<hbm>>
    tpu.wait_indirect_dma semaphore(%arg11 : memref<!tpu.dma_semaphore, #tpu.memory_space<semaphore_mem>>) src(%dma_wait3A_63 : memref<10000x32xf32, #tpu.memory_space<hbm>>) dst(%dma_wait3A_58 : memref<16x32xf32, #tpu.memory_space<vmem>>)
    "tpu.region"() ({
      %run_scoped3A_69 = tpu.sem_alloc : memref<!tpu.dma_semaphore, #tpu.memory_space<semaphore_mem>>
      %dma_start3A_70 = arith.constant 0 : i32
      %dma_start3A_71 = arith.constant 0 : i32
      %dma_start3A_72 = tpu.memref_slice %arg8[%dma_start3A_70, %dma_start3A_71] : memref<128x32xf32, #tpu.memory_space<vmem>> -> memref<16x32xf32, #tpu.memory_space<vmem>>
      %dma_start3A_73 = arith.constant 9984 : i32
      %dma_start3A_74 = tpu.memref_slice %arg6[%dma_start3A_73] : memref<10000xi32, #tpu.memory_space<vmem>> -> memref<16xi32, #tpu.memory_space<vmem>>
      %dma_start3A_75 = arith.constant 0 : i32
      %dma_start3A_76 = arith.constant 0 : i32
      %dma_start3A_77 = tpu.memref_slice %arg10[%dma_start3A_75, %dma_start3A_76] : memref<10240x32xf32, #tpu.memory_space<vmem_shared>> -> memref<10240x32xf32, #tpu.memory_space<vmem_shared>>
      tpu.enqueue_indirect_dma source(%dma_start3A_72 : memref<16x32xf32, #tpu.memory_space<vmem>>) target(%dma_start3A_77 : memref<10240x32xf32, #tpu.memory_space<vmem_shared>>) offsets(%dma_start3A_74 : memref<16xi32, #tpu.memory_space<vmem>>) semaphore(%run_scoped3A_69 : memref<!tpu.dma_semaphore, #tpu.memory_space<semaphore_mem>>) {add = true}
      %dma_wait3A_78 = arith.constant 0 : i32
      %dma_wait3A_79 = arith.constant 0 : i32
      %dma_wait3A_80 = tpu.memref_slice %arg8[%dma_wait3A_78, %dma_wait3A_79] : memref<128x32xf32, #tpu.memory_space<vmem>> -> memref<16x32xf32, #tpu.memory_space<vmem>>
      %dma_wait3A_81 = arith.constant 9984 : i32
      %dma_wait3A_82 = tpu.memref_slice %arg6[%dma_wait3A_81] : memref<10000xi32, #tpu.memory_space<vmem>> -> memref<16xi32, #tpu.memory_space<vmem>>
      %dma_wait3A_83 = arith.constant 0 : i32
      %dma_wait3A_84 = arith.constant 0 : i32
      %dma_wait3A_85 = tpu.memref_slice %arg10[%dma_wait3A_83, %dma_wait3A_84] : memref<10240x32xf32, #tpu.memory_space<vmem_shared>> -> memref<10240x32xf32, #tpu.memory_space<vmem_shared>>
      tpu.wait_indirect_dma semaphore(%run_scoped3A_69 : memref<!tpu.dma_semaphore, #tpu.memory_space<semaphore_mem>>) src(%dma_wait3A_80 : memref<16x32xf32, #tpu.memory_space<vmem>>) dst(%dma_wait3A_85 : memref<10240x32xf32, #tpu.memory_space<vmem_shared>>)
      tpu.yield
    }) : () -> ()
    %barrier3A_64 = arith.constant 0 : index
    tpu.barrier barrier_id(%barrier3A_64)
    %mul3A_65 = arith.constant 640 : i32
    %mul3A_66 = arith.muli %arg1, %mul3A_65 : i32
    %mul3A_67 = arith.constant 32 : i32
    %mul3A_68 = arith.muli %mul3A_67, %arg0 : i32
    "tpu.region"() ({
      %run_scoped3A_69 = tpu.sem_alloc : memref<!tpu.dma_semaphore, #tpu.memory_space<semaphore_mem>>
      %dma_start3A_70 = tpu.memref_slice %arg4[%mul3A_66, %mul3A_68] : memref<10240x128xf32, #tpu.memory_space<hbm>> -> memref<640x32xf32, #tpu.memory_space<hbm>>
      %dma_start3A_71 = arith.constant 0 : i32
      %dma_start3A_72 = tpu.memref_slice %arg10[%mul3A_66, %dma_start3A_71] : memref<10240x32xf32, #tpu.memory_space<vmem_shared>> -> memref<640x32xf32, #tpu.memory_space<vmem_shared>>
      tpu.enqueue_dma source(%dma_start3A_72 : memref<640x32xf32, #tpu.memory_space<vmem_shared>>) target(%dma_start3A_70 : memref<640x32xf32, #tpu.memory_space<hbm>>) target_semaphore(%run_scoped3A_69 : memref<!tpu.dma_semaphore, #tpu.memory_space<semaphore_mem>>)
      %dma_wait3A_73 = tpu.memref_slice %arg4[%mul3A_66, %mul3A_68] : memref<10240x128xf32, #tpu.memory_space<hbm>> -> memref<640x32xf32, #tpu.memory_space<hbm>>
      %dma_wait3A_74 = arith.constant 0 : i32
      %dma_wait3A_75 = tpu.memref_slice %arg10[%mul3A_66, %dma_wait3A_74] : memref<10240x32xf32, #tpu.memory_space<vmem_shared>> -> memref<640x32xf32, #tpu.memory_space<vmem_shared>>
      tpu.wait_dma2 semaphore(%run_scoped3A_69 : memref<!tpu.dma_semaphore, #tpu.memory_space<semaphore_mem>>) src(%dma_wait3A_75 : memref<640x32xf32, #tpu.memory_space<vmem_shared>>) dst(%dma_wait3A_73 : memref<640x32xf32, #tpu.memory_space<hbm>>)
      tpu.yield
    }) : () -> ()
    return
  }
}

#map = affine_map<(d0, d1) -> (0, 0)>
module attributes {stable_mosaic.version = 14 : i64} {
  func.func @_deg(%arg0: i32, %arg1: i32, %arg2: memref<2x320000xi32, #tpu.memory_space<hbm>>, %arg3: memref<10240x128xf32, #tpu.memory_space<hbm>>, %arg4: memref<10000xi32, #tpu.memory_space<vmem>>, %arg5: memref<128x16xf32, #tpu.memory_space<vmem>>, %arg6: memref<128x16xf32, #tpu.memory_space<vmem>>, %arg7: memref<10240x16xf32, #tpu.memory_space<vmem_shared>>) attributes {dimension_semantics = [#tpu.dimension_semantics<core_parallel>, #tpu.dimension_semantics<subcore_parallel>], iteration_bounds = array<i64: 2, 16>, scalar_prefetch = 0 : i64, scratch_operands = 4 : i64, tpu.core_type = #tpu.core_type<sc_vector_subcore>, window_params = [{transform_indices = #map}, {transform_indices = #map}]} {
    %mul3A = arith.constant 2 : i32
    %mul3A_0 = arith.muli %arg1, %mul3A : i32
    %add3A = arith.addi %mul3A_0, %arg0 : i32
    %mul3A_1 = arith.constant 10000 : i32
    %mul3A_2 = arith.muli %add3A, %mul3A_1 : i32
    %run_scoped3A = arith.constant 1 : i32
    "tpu.region"() ({
      %run_scoped3A_43 = tpu.sem_alloc : memref<!tpu.dma_semaphore, #tpu.memory_space<semaphore_mem>>
      %dma_start3A = tpu.memref_slice %arg2[%run_scoped3A, %mul3A_2] : memref<2x320000xi32, #tpu.memory_space<hbm>> -> memref<1x10000xi32, #tpu.memory_space<hbm>>
      %dma_start3A_44 = tpu.memref_squeeze %dma_start3A : memref<1x10000xi32, #tpu.memory_space<hbm>> -> memref<10000xi32, #tpu.memory_space<hbm>>
      %dma_start3A_45 = tpu.memref_slice %arg2[%run_scoped3A, %mul3A_2] : memref<2x320000xi32, #tpu.memory_space<hbm>> -> memref<1x10000xi32, #tpu.memory_space<hbm>>
      %dma_start3A_46 = tpu.memref_squeeze %dma_start3A_45 : memref<1x10000xi32, #tpu.memory_space<hbm>> -> memref<10000xi32, #tpu.memory_space<hbm>>
      tpu.enqueue_dma source(%dma_start3A_46 : memref<10000xi32, #tpu.memory_space<hbm>>) target(%arg4 : memref<10000xi32, #tpu.memory_space<vmem>>) target_semaphore(%run_scoped3A_43 : memref<!tpu.dma_semaphore, #tpu.memory_space<semaphore_mem>>)
      %dma_wait3A = tpu.memref_slice %arg2[%run_scoped3A, %mul3A_2] : memref<2x320000xi32, #tpu.memory_space<hbm>> -> memref<1x10000xi32, #tpu.memory_space<hbm>>
      %dma_wait3A_47 = tpu.memref_squeeze %dma_wait3A : memref<1x10000xi32, #tpu.memory_space<hbm>> -> memref<10000xi32, #tpu.memory_space<hbm>>
      %dma_wait3A_48 = tpu.memref_slice %arg2[%run_scoped3A, %mul3A_2] : memref<2x320000xi32, #tpu.memory_space<hbm>> -> memref<1x10000xi32, #tpu.memory_space<hbm>>
      %dma_wait3A_49 = tpu.memref_squeeze %dma_wait3A_48 : memref<1x10000xi32, #tpu.memory_space<hbm>> -> memref<10000xi32, #tpu.memory_space<hbm>>
      tpu.wait_dma2 semaphore(%run_scoped3A_43 : memref<!tpu.dma_semaphore, #tpu.memory_space<semaphore_mem>>) src(%dma_wait3A_49 : memref<10000xi32, #tpu.memory_space<hbm>>) dst(%arg4 : memref<10000xi32, #tpu.memory_space<vmem>>)
      tpu.yield
    }) : () -> ()
    %broadcast_in_dim3A = arith.constant 1.000000e+00 : f32
    %broadcast_in_dim3A_3 = vector.broadcast %broadcast_in_dim3A : f32 to vector<16xf32>
    %scan3A = arith.constant 0 : i32
    %scan3A_4 = arith.constant 0 : i32
    %scan3A_5 = arith.constant 128 : i32
    %scan3A_6 = arith.addi %scan3A_4, %scan3A_5 : i32
    %scan3A_7 = arith.constant 1 : i32
    %scan3A_8 = scf.for %scan3A_43 = %scan3A_4 to %scan3A_6 step %scan3A_7 iter_args(%scan3A_44 = %scan3A) -> (i32)  : i32 {
      %swap3A = arith.index_cast %scan3A_43 : i32 to index
      %swap3A_45 = arith.constant 0 : index
      %swap3A_46 = tpu.vector_load %arg5[%swap3A, %swap3A_45] {strides = array<i32>} : memref<128x16xf32, #tpu.memory_space<vmem>>, vector<1x16xf32>,
      %swap3A_47 = vector.shape_cast %swap3A_46 : vector<1x16xf32> to vector<16xf32>
      %swap3A_48 = vector.shape_cast %broadcast_in_dim3A_3 : vector<16xf32> to vector<1x16xf32>
      tpu.vector_store %arg5[%swap3A, %swap3A_45], %swap3A_48 {strides = array<i32>} : memref<128x16xf32, #tpu.memory_space<vmem>>, vector<1x16xf32>,
      %scan3A_49 = arith.constant 0 : i32
      scf.yield %scan3A_49 : i32
    }
    %scan3A_9 = arith.constant 128 : i32
    %broadcast_in_dim3A_10 = arith.constant 0.000000e+00 : f32
    %broadcast_in_dim3A_11 = vector.broadcast %broadcast_in_dim3A_10 : f32 to vector<16xf32>
    %scan3A_12 = arith.constant 0 : i32
    %scan3A_13 = arith.constant 0 : i32
    %scan3A_14 = arith.constant 128 : i32
    %scan3A_15 = arith.addi %scan3A_13, %scan3A_14 : i32
    %scan3A_16 = arith.constant 1 : i32
    %scan3A_17 = scf.for %scan3A_43 = %scan3A_13 to %scan3A_15 step %scan3A_16 iter_args(%scan3A_44 = %scan3A_12) -> (i32)  : i32 {
      %swap3A = arith.index_cast %scan3A_43 : i32 to index
      %swap3A_45 = arith.constant 0 : index
      %swap3A_46 = tpu.vector_load %arg6[%swap3A, %swap3A_45] {strides = array<i32>} : memref<128x16xf32, #tpu.memory_space<vmem>>, vector<1x16xf32>,
      %swap3A_47 = vector.shape_cast %swap3A_46 : vector<1x16xf32> to vector<16xf32>
      %swap3A_48 = vector.shape_cast %broadcast_in_dim3A_11 : vector<16xf32> to vector<1x16xf32>
      tpu.vector_store %arg6[%swap3A, %swap3A_45], %swap3A_48 {strides = array<i32>} : memref<128x16xf32, #tpu.memory_space<vmem>>, vector<1x16xf32>,
      %scan3A_49 = arith.constant 0 : i32
      scf.yield %scan3A_49 : i32
    }
    %scan3A_18 = arith.constant 128 : i32
    %mul3A_19 = arith.constant 640 : i32
    %mul3A_20 = arith.muli %arg1, %mul3A_19 : i32
    %add3A_21 = arith.constant 0 : i32
    %add3A_22 = arith.addi %mul3A_20, %add3A_21 : i32
    "tpu.region"() ({
      %run_scoped3A_43 = tpu.sem_alloc : memref<!tpu.dma_semaphore, #tpu.memory_space<semaphore_mem>>
      %dma_start3A = arith.constant 0 : i32
      %dma_start3A_44 = tpu.memref_slice %arg7[%add3A_22, %dma_start3A] : memref<10240x16xf32, #tpu.memory_space<vmem_shared>> -> memref<128x16xf32, #tpu.memory_space<vmem_shared>>
      %dma_start3A_45 = arith.constant 0 : i32
      %dma_start3A_46 = tpu.memref_slice %arg7[%add3A_22, %dma_start3A_45] : memref<10240x16xf32, #tpu.memory_space<vmem_shared>> -> memref<128x16xf32, #tpu.memory_space<vmem_shared>>
      tpu.enqueue_dma source(%arg6 : memref<128x16xf32, #tpu.memory_space<vmem>>) target(%dma_start3A_46 : memref<128x16xf32, #tpu.memory_space<vmem_shared>>) target_semaphore(%run_scoped3A_43 : memref<!tpu.dma_semaphore, #tpu.memory_space<semaphore_mem>>)
      %dma_wait3A = arith.constant 0 : i32
      %dma_wait3A_47 = tpu.memref_slice %arg7[%add3A_22, %dma_wait3A] : memref<10240x16xf32, #tpu.memory_space<vmem_shared>> -> memref<128x16xf32, #tpu.memory_space<vmem_shared>>
      %dma_wait3A_48 = arith.constant 0 : i32
      %dma_wait3A_49 = tpu.memref_slice %arg7[%add3A_22, %dma_wait3A_48] : memref<10240x16xf32, #tpu.memory_space<vmem_shared>> -> memref<128x16xf32, #tpu.memory_space<vmem_shared>>
      tpu.wait_dma2 semaphore(%run_scoped3A_43 : memref<!tpu.dma_semaphore, #tpu.memory_space<semaphore_mem>>) src(%arg6 : memref<128x16xf32, #tpu.memory_space<vmem>>) dst(%dma_wait3A_49 : memref<128x16xf32, #tpu.memory_space<vmem_shared>>)
      tpu.yield
    }) : () -> ()
    %add3A_23 = arith.constant 128 : i32
    %add3A_24 = arith.addi %mul3A_20, %add3A_23 : i32
    "tpu.region"() ({
      %run_scoped3A_43 = tpu.sem_alloc : memref<!tpu.dma_semaphore, #tpu.memory_space<semaphore_mem>>
      %dma_start3A = arith.constant 0 : i32
      %dma_start3A_44 = tpu.memref_slice %arg7[%add3A_24, %dma_start3A] : memref<10240x16xf32, #tpu.memory_space<vmem_shared>> -> memref<128x16xf32, #tpu.memory_space<vmem_shared>>
      %dma_start3A_45 = arith.constant 0 : i32
      %dma_start3A_46 = tpu.memref_slice %arg7[%add3A_24, %dma_start3A_45] : memref<10240x16xf32, #tpu.memory_space<vmem_shared>> -> memref<128x16xf32, #tpu.memory_space<vmem_shared>>
      tpu.enqueue_dma source(%arg6 : memref<128x16xf32, #tpu.memory_space<vmem>>) target(%dma_start3A_46 : memref<128x16xf32, #tpu.memory_space<vmem_shared>>) target_semaphore(%run_scoped3A_43 : memref<!tpu.dma_semaphore, #tpu.memory_space<semaphore_mem>>)
      %dma_wait3A = arith.constant 0 : i32
      %dma_wait3A_47 = tpu.memref_slice %arg7[%add3A_24, %dma_wait3A] : memref<10240x16xf32, #tpu.memory_space<vmem_shared>> -> memref<128x16xf32, #tpu.memory_space<vmem_shared>>
      %dma_wait3A_48 = arith.constant 0 : i32
      %dma_wait3A_49 = tpu.memref_slice %arg7[%add3A_24, %dma_wait3A_48] : memref<10240x16xf32, #tpu.memory_space<vmem_shared>> -> memref<128x16xf32, #tpu.memory_space<vmem_shared>>
      tpu.wait_dma2 semaphore(%run_scoped3A_43 : memref<!tpu.dma_semaphore, #tpu.memory_space<semaphore_mem>>) src(%arg6 : memref<128x16xf32, #tpu.memory_space<vmem>>) dst(%dma_wait3A_49 : memref<128x16xf32, #tpu.memory_space<vmem_shared>>)
      tpu.yield
    }) : () -> ()
    %add3A_25 = arith.constant 256 : i32
    %add3A_26 = arith.addi %mul3A_20, %add3A_25 : i32
    "tpu.region"() ({
      %run_scoped3A_43 = tpu.sem_alloc : memref<!tpu.dma_semaphore, #tpu.memory_space<semaphore_mem>>
      %dma_start3A = arith.constant 0 : i32
      %dma_start3A_44 = tpu.memref_slice %arg7[%add3A_26, %dma_start3A] : memref<10240x16xf32, #tpu.memory_space<vmem_shared>> -> memref<128x16xf32, #tpu.memory_space<vmem_shared>>
      %dma_start3A_45 = arith.constant 0 : i32
      %dma_start3A_46 = tpu.memref_slice %arg7[%add3A_26, %dma_start3A_45] : memref<10240x16xf32, #tpu.memory_space<vmem_shared>> -> memref<128x16xf32, #tpu.memory_space<vmem_shared>>
      tpu.enqueue_dma source(%arg6 : memref<128x16xf32, #tpu.memory_space<vmem>>) target(%dma_start3A_46 : memref<128x16xf32, #tpu.memory_space<vmem_shared>>) target_semaphore(%run_scoped3A_43 : memref<!tpu.dma_semaphore, #tpu.memory_space<semaphore_mem>>)
      %dma_wait3A = arith.constant 0 : i32
      %dma_wait3A_47 = tpu.memref_slice %arg7[%add3A_26, %dma_wait3A] : memref<10240x16xf32, #tpu.memory_space<vmem_shared>> -> memref<128x16xf32, #tpu.memory_space<vmem_shared>>
      %dma_wait3A_48 = arith.constant 0 : i32
      %dma_wait3A_49 = tpu.memref_slice %arg7[%add3A_26, %dma_wait3A_48] : memref<10240x16xf32, #tpu.memory_space<vmem_shared>> -> memref<128x16xf32, #tpu.memory_space<vmem_shared>>
      tpu.wait_dma2 semaphore(%run_scoped3A_43 : memref<!tpu.dma_semaphore, #tpu.memory_space<semaphore_mem>>) src(%arg6 : memref<128x16xf32, #tpu.memory_space<vmem>>) dst(%dma_wait3A_49 : memref<128x16xf32, #tpu.memory_space<vmem_shared>>)
      tpu.yield
    }) : () -> ()
    %add3A_27 = arith.constant 384 : i32
    %add3A_28 = arith.addi %mul3A_20, %add3A_27 : i32
    "tpu.region"() ({
      %run_scoped3A_43 = tpu.sem_alloc : memref<!tpu.dma_semaphore, #tpu.memory_space<semaphore_mem>>
      %dma_start3A = arith.constant 0 : i32
      %dma_start3A_44 = tpu.memref_slice %arg7[%add3A_28, %dma_start3A] : memref<10240x16xf32, #tpu.memory_space<vmem_shared>> -> memref<128x16xf32, #tpu.memory_space<vmem_shared>>
      %dma_start3A_45 = arith.constant 0 : i32
      %dma_start3A_46 = tpu.memref_slice %arg7[%add3A_28, %dma_start3A_45] : memref<10240x16xf32, #tpu.memory_space<vmem_shared>> -> memref<128x16xf32, #tpu.memory_space<vmem_shared>>
      tpu.enqueue_dma source(%arg6 : memref<128x16xf32, #tpu.memory_space<vmem>>) target(%dma_start3A_46 : memref<128x16xf32, #tpu.memory_space<vmem_shared>>) target_semaphore(%run_scoped3A_43 : memref<!tpu.dma_semaphore, #tpu.memory_space<semaphore_mem>>)
      %dma_wait3A = arith.constant 0 : i32
      %dma_wait3A_47 = tpu.memref_slice %arg7[%add3A_28, %dma_wait3A] : memref<10240x16xf32, #tpu.memory_space<vmem_shared>> -> memref<128x16xf32, #tpu.memory_space<vmem_shared>>
      %dma_wait3A_48 = arith.constant 0 : i32
      %dma_wait3A_49 = tpu.memref_slice %arg7[%add3A_28, %dma_wait3A_48] : memref<10240x16xf32, #tpu.memory_space<vmem_shared>> -> memref<128x16xf32, #tpu.memory_space<vmem_shared>>
      tpu.wait_dma2 semaphore(%run_scoped3A_43 : memref<!tpu.dma_semaphore, #tpu.memory_space<semaphore_mem>>) src(%arg6 : memref<128x16xf32, #tpu.memory_space<vmem>>) dst(%dma_wait3A_49 : memref<128x16xf32, #tpu.memory_space<vmem_shared>>)
      tpu.yield
    }) : () -> ()
    %add3A_29 = arith.constant 512 : i32
    %add3A_30 = arith.addi %mul3A_20, %add3A_29 : i32
    "tpu.region"() ({
      %run_scoped3A_43 = tpu.sem_alloc : memref<!tpu.dma_semaphore, #tpu.memory_space<semaphore_mem>>
      %dma_start3A = arith.constant 0 : i32
      %dma_start3A_44 = tpu.memref_slice %arg7[%add3A_30, %dma_start3A] : memref<10240x16xf32, #tpu.memory_space<vmem_shared>> -> memref<128x16xf32, #tpu.memory_space<vmem_shared>>
      %dma_start3A_45 = arith.constant 0 : i32
      %dma_start3A_46 = tpu.memref_slice %arg7[%add3A_30, %dma_start3A_45] : memref<10240x16xf32, #tpu.memory_space<vmem_shared>> -> memref<128x16xf32, #tpu.memory_space<vmem_shared>>
      tpu.enqueue_dma source(%arg6 : memref<128x16xf32, #tpu.memory_space<vmem>>) target(%dma_start3A_46 : memref<128x16xf32, #tpu.memory_space<vmem_shared>>) target_semaphore(%run_scoped3A_43 : memref<!tpu.dma_semaphore, #tpu.memory_space<semaphore_mem>>)
      %dma_wait3A = arith.constant 0 : i32
      %dma_wait3A_47 = tpu.memref_slice %arg7[%add3A_30, %dma_wait3A] : memref<10240x16xf32, #tpu.memory_space<vmem_shared>> -> memref<128x16xf32, #tpu.memory_space<vmem_shared>>
      %dma_wait3A_48 = arith.constant 0 : i32
      %dma_wait3A_49 = tpu.memref_slice %arg7[%add3A_30, %dma_wait3A_48] : memref<10240x16xf32, #tpu.memory_space<vmem_shared>> -> memref<128x16xf32, #tpu.memory_space<vmem_shared>>
      tpu.wait_dma2 semaphore(%run_scoped3A_43 : memref<!tpu.dma_semaphore, #tpu.memory_space<semaphore_mem>>) src(%arg6 : memref<128x16xf32, #tpu.memory_space<vmem>>) dst(%dma_wait3A_49 : memref<128x16xf32, #tpu.memory_space<vmem_shared>>)
      tpu.yield
    }) : () -> ()
    %barrier3A = arith.constant 0 : index
    tpu.barrier barrier_id(%barrier3A)
    %scan3A_31 = arith.constant 0 : i32
    %scan3A_32 = arith.constant 0 : i32
    %scan3A_33 = arith.constant 78 : i32
    %scan3A_34 = arith.addi %scan3A_32, %scan3A_33 : i32
    %scan3A_35 = arith.constant 1 : i32
    %scan3A_36 = scf.for %scan3A_43 = %scan3A_32 to %scan3A_34 step %scan3A_35 iter_args(%scan3A_44 = %scan3A_31) -> (i32)  : i32 {
      %mul3A_45 = arith.constant 128 : i32
      %mul3A_46 = arith.muli %scan3A_43, %mul3A_45 : i32
      "tpu.region"() ({
        %run_scoped3A_48 = tpu.sem_alloc : memref<!tpu.dma_semaphore, #tpu.memory_space<semaphore_mem>>
        %dma_start3A = tpu.memref_slice %arg4[%mul3A_46] : memref<10000xi32, #tpu.memory_space<vmem>> -> memref<128xi32, #tpu.memory_space<vmem>>
        %dma_start3A_49 = arith.constant 0 : i32
        %dma_start3A_50 = arith.constant 0 : i32
        %dma_start3A_51 = tpu.memref_slice %arg7[%dma_start3A_49, %dma_start3A_50] : memref<10240x16xf32, #tpu.memory_space<vmem_shared>> -> memref<10240x16xf32, #tpu.memory_space<vmem_shared>>
        tpu.enqueue_indirect_dma source(%arg5 : memref<128x16xf32, #tpu.memory_space<vmem>>) target(%dma_start3A_51 : memref<10240x16xf32, #tpu.memory_space<vmem_shared>>) offsets(%dma_start3A : memref<128xi32, #tpu.memory_space<vmem>>) semaphore(%run_scoped3A_48 : memref<!tpu.dma_semaphore, #tpu.memory_space<semaphore_mem>>) {add = true}
        %dma_wait3A = tpu.memref_slice %arg4[%mul3A_46] : memref<10000xi32, #tpu.memory_space<vmem>> -> memref<128xi32, #tpu.memory_space<vmem>>
        %dma_wait3A_52 = arith.constant 0 : i32
        %dma_wait3A_53 = arith.constant 0 : i32
        %dma_wait3A_54 = tpu.memref_slice %arg7[%dma_wait3A_52, %dma_wait3A_53] : memref<10240x16xf32, #tpu.memory_space<vmem_shared>> -> memref<10240x16xf32, #tpu.memory_space<vmem_shared>>
        tpu.wait_indirect_dma semaphore(%run_scoped3A_48 : memref<!tpu.dma_semaphore, #tpu.memory_space<semaphore_mem>>) src(%arg5 : memref<128x16xf32, #tpu.memory_space<vmem>>) dst(%dma_wait3A_54 : memref<10240x16xf32, #tpu.memory_space<vmem_shared>>)
        tpu.yield
      }) : () -> ()
      %scan3A_47 = arith.constant 0 : i32
      scf.yield %scan3A_47 : i32
    }
    %scan3A_37 = arith.constant 78 : i32
    "tpu.region"() ({
      %run_scoped3A_43 = tpu.sem_alloc : memref<!tpu.dma_semaphore, #tpu.memory_space<semaphore_mem>>
      %dma_start3A = arith.constant 0 : i32
      %dma_start3A_44 = arith.constant 0 : i32
      %dma_start3A_45 = tpu.memref_slice %arg5[%dma_start3A, %dma_start3A_44] : memref<128x16xf32, #tpu.memory_space<vmem>> -> memref<16x16xf32, #tpu.memory_space<vmem>>
      %dma_start3A_46 = arith.constant 9984 : i32
      %dma_start3A_47 = tpu.memref_slice %arg4[%dma_start3A_46] : memref<10000xi32, #tpu.memory_space<vmem>> -> memref<16xi32, #tpu.memory_space<vmem>>
      %dma_start3A_48 = arith.constant 0 : i32
      %dma_start3A_49 = arith.constant 0 : i32
      %dma_start3A_50 = tpu.memref_slice %arg7[%dma_start3A_48, %dma_start3A_49] : memref<10240x16xf32, #tpu.memory_space<vmem_shared>> -> memref<10240x16xf32, #tpu.memory_space<vmem_shared>>
      tpu.enqueue_indirect_dma source(%dma_start3A_45 : memref<16x16xf32, #tpu.memory_space<vmem>>) target(%dma_start3A_50 : memref<10240x16xf32, #tpu.memory_space<vmem_shared>>) offsets(%dma_start3A_47 : memref<16xi32, #tpu.memory_space<vmem>>) semaphore(%run_scoped3A_43 : memref<!tpu.dma_semaphore, #tpu.memory_space<semaphore_mem>>) {add = true}
      %dma_wait3A = arith.constant 0 : i32
      %dma_wait3A_51 = arith.constant 0 : i32
      %dma_wait3A_52 = tpu.memref_slice %arg5[%dma_wait3A, %dma_wait3A_51] : memref<128x16xf32, #tpu.memory_space<vmem>> -> memref<16x16xf32, #tpu.memory_space<vmem>>
      %dma_wait3A_53 = arith.constant 9984 : i32
      %dma_wait3A_54 = tpu.memref_slice %arg4[%dma_wait3A_53] : memref<10000xi32, #tpu.memory_space<vmem>> -> memref<16xi32, #tpu.memory_space<vmem>>
      %dma_wait3A_55 = arith.constant 0 : i32
      %dma_wait3A_56 = arith.constant 0 : i32
      %dma_wait3A_57 = tpu.memref_slice %arg7[%dma_wait3A_55, %dma_wait3A_56] : memref<10240x16xf32, #tpu.memory_space<vmem_shared>> -> memref<10240x16xf32, #tpu.memory_space<vmem_shared>>
      tpu.wait_indirect_dma semaphore(%run_scoped3A_43 : memref<!tpu.dma_semaphore, #tpu.memory_space<semaphore_mem>>) src(%dma_wait3A_52 : memref<16x16xf32, #tpu.memory_space<vmem>>) dst(%dma_wait3A_57 : memref<10240x16xf32, #tpu.memory_space<vmem_shared>>)
      tpu.yield
    }) : () -> ()
    %barrier3A_38 = arith.constant 0 : index
    tpu.barrier barrier_id(%barrier3A_38)
    %mul3A_39 = arith.constant 640 : i32
    %mul3A_40 = arith.muli %arg1, %mul3A_39 : i32
    %mul3A_41 = arith.constant 16 : i32
    %mul3A_42 = arith.muli %mul3A_41, %arg0 : i32
    "tpu.region"() ({
      %run_scoped3A_43 = tpu.sem_alloc : memref<!tpu.dma_semaphore, #tpu.memory_space<semaphore_mem>>
      %dma_start3A = tpu.memref_slice %arg3[%mul3A_40, %mul3A_42] : memref<10240x128xf32, #tpu.memory_space<hbm>> -> memref<640x16xf32, #tpu.memory_space<hbm>>
      %dma_start3A_44 = arith.constant 0 : i32
      %dma_start3A_45 = tpu.memref_slice %arg7[%mul3A_40, %dma_start3A_44] : memref<10240x16xf32, #tpu.memory_space<vmem_shared>> -> memref<640x16xf32, #tpu.memory_space<vmem_shared>>
      tpu.enqueue_dma source(%dma_start3A_45 : memref<640x16xf32, #tpu.memory_space<vmem_shared>>) target(%dma_start3A : memref<640x16xf32, #tpu.memory_space<hbm>>) target_semaphore(%run_scoped3A_43 : memref<!tpu.dma_semaphore, #tpu.memory_space<semaphore_mem>>)
      %dma_wait3A = tpu.memref_slice %arg3[%mul3A_40, %mul3A_42] : memref<10240x128xf32, #tpu.memory_space<hbm>> -> memref<640x16xf32, #tpu.memory_space<hbm>>
      %dma_wait3A_46 = arith.constant 0 : i32
      %dma_wait3A_47 = tpu.memref_slice %arg7[%mul3A_40, %dma_wait3A_46] : memref<10240x16xf32, #tpu.memory_space<vmem_shared>> -> memref<640x16xf32, #tpu.memory_space<vmem_shared>>
      tpu.wait_dma2 semaphore(%run_scoped3A_43 : memref<!tpu.dma_semaphore, #tpu.memory_space<semaphore_mem>>) src(%dma_wait3A_47 : memref<640x16xf32, #tpu.memory_space<vmem_shared>>) dst(%dma_wait3A : memref<640x16xf32, #tpu.memory_space<hbm>>)
      tpu.yield
    }) : () -> ()
    return
  }
}

module attributes {stable_mosaic.version = 14 : i64} {
  func.func @_mm1_body(%arg0: i32, %arg1: memref<2000x128xf32, #tpu.memory_space<vmem>>, %arg2: memref<128x64xf32, #tpu.memory_space<vmem>>, %arg3: memref<2000x128xf32, #tpu.memory_space<vmem>>, %arg4: memref<2000x64xf32, #tpu.memory_space<vmem>>, %arg5: memref<2000x1xf32, #tpu.memory_space<vmem>>) attributes {dimension_semantics = [#tpu.dimension_semantics<arbitrary>], iteration_bounds = array<i64: 5>, scalar_prefetch = 0 : i64, scratch_operands = 0 : i64, tpu.core_type = #tpu.core_type<tc>, window_params = [{transform_indices = @transform_0, window_bounds = array<i64: 2000, 128>}, {pipeline_mode = #tpu.pipeline_mode<synchronous>, transform_indices = @transform_1, window_bounds = array<i64: 128, 64>}, {transform_indices = @transform_2, window_bounds = array<i64: 2000, 128>}, {transform_indices = @transform_3, window_bounds = array<i64: 2000, 64>}, {transform_indices = @transform_4, window_bounds = array<i64: 2000, 1>}]} {
    %get3A = arith.constant 0 : index
    %get3A_0 = arith.constant 0 : index
    %get3A_1 = vector.load %arg3[%get3A, %get3A_0] : memref<2000x128xf32, #tpu.memory_space<vmem>>, vector<2000x1xf32>
    %get3A_2 = arith.constant 0 : index
    %get3A_3 = arith.constant 16 : index
    %get3A_4 = vector.load %arg3[%get3A_2, %get3A_3] : memref<2000x128xf32, #tpu.memory_space<vmem>>, vector<2000x1xf32>
    %add3A = arith.addf %get3A_1, %get3A_4 : vector<2000x1xf32>
    %add3A_5 = arith.constant 1.000000e+00 : f32
    %add3A_6 = vector.broadcast %add3A_5 : f32 to vector<2000x1xf32>
    %add3A_7 = arith.addf %add3A, %add3A_6 : vector<2000x1xf32>
    %rsqrt3A = math.rsqrt %add3A_7 : vector<2000x1xf32>
    %get3A_8 = arith.constant 0 : index
    %get3A_9 = arith.constant 0 : index
    %get3A_10 = vector.load %arg1[%get3A_8, %get3A_9] : memref<2000x128xf32, #tpu.memory_space<vmem>>, vector<2000x128xf32>
    %get3A_11 = arith.constant 0 : index
    %get3A_12 = arith.constant 0 : index
    %get3A_13 = vector.load %arg2[%get3A_11, %get3A_12] : memref<128x64xf32, #tpu.memory_space<vmem>>, vector<128x64xf32>
    %dot_general3A = arith.constant dense<0.000000e+00> : vector<2000x64xf32>
    %dot_general3A_14 = tpu.matmul %get3A_10, %get3A_13, %dot_general3A {dimension_numbers = #tpu.dot_dimension_numbers<[1], [0], [0], [1], [0, 0, 1, 1], [], []>, transpose_lhs_hint = false} : vector<2000x128xf32>, vector<128x64xf32>, vector<2000x64xf32> -> vector<2000x64xf32>
    %mul3A = vector.broadcast %rsqrt3A : vector<2000x1xf32> to vector<2000x64xf32>
    %mul3A_15 = arith.mulf %dot_general3A_14, %mul3A : vector<2000x64xf32>
    %swap3A = arith.constant 0 : index
    %swap3A_16 = arith.constant 0 : index
    %swap3A_17 = vector.load %arg4[%swap3A, %swap3A_16] : memref<2000x64xf32, #tpu.memory_space<vmem>>, vector<2000x64xf32>
    tpu.vector_store %arg4[%swap3A, %swap3A_16], %mul3A_15 {strides = array<i32>} : memref<2000x64xf32, #tpu.memory_space<vmem>>, vector<2000x64xf32>,
    %swap3A_18 = arith.constant 0 : index
    %swap3A_19 = arith.constant 0 : index
    %swap3A_20 = vector.load %arg5[%swap3A_18, %swap3A_19] : memref<2000x1xf32, #tpu.memory_space<vmem>>, vector<2000x1xf32>
    tpu.vector_store %arg5[%swap3A_18, %swap3A_19], %rsqrt3A {strides = array<i32>} : memref<2000x1xf32, #tpu.memory_space<vmem>>, vector<2000x1xf32>,
    return
  }
  func.func @transform_0(%arg0: i32) -> (i32, i32) {
    %c0_i32 = arith.constant 0 : i32
    %c0_i32_0 = arith.constant 0 : i32
    return %arg0, %c0_i32 : i32, i32
  }
  func.func @transform_1(%arg0: i32) -> (i32, i32) {
    %c0_i32 = arith.constant 0 : i32
    %c0_i32_0 = arith.constant 0 : i32
    %c0_i32_1 = arith.constant 0 : i32
    return %c0_i32, %c0_i32_0 : i32, i32
  }
  func.func @transform_2(%arg0: i32) -> (i32, i32) {
    %c0_i32 = arith.constant 0 : i32
    %c0_i32_0 = arith.constant 0 : i32
    return %arg0, %c0_i32 : i32, i32
  }
  func.func @transform_3(%arg0: i32) -> (i32, i32) {
    %c0_i32 = arith.constant 0 : i32
    %c0_i32_0 = arith.constant 0 : i32
    return %arg0, %c0_i32 : i32, i32
  }
  func.func @transform_4(%arg0: i32) -> (i32, i32) {
    %c0_i32 = arith.constant 0 : i32
    %c0_i32_0 = arith.constant 0 : i32
    return %arg0, %c0_i32 : i32, i32
  }
}

module attributes {stable_mosaic.version = 14 : i64} {
  func.func @_mm2_body(%arg0: i32, %arg1: memref<2000x128xf32, #tpu.memory_space<vmem>>, %arg2: memref<2000x64xf32, #tpu.memory_space<vmem>>, %arg3: memref<2000x1xf32, #tpu.memory_space<vmem>>, %arg4: memref<1x64xf32, #tpu.memory_space<vmem>>, %arg5: memref<64x32xf32, #tpu.memory_space<vmem>>, %arg6: memref<2000x32xf32, #tpu.memory_space<vmem>>) attributes {dimension_semantics = [#tpu.dimension_semantics<arbitrary>], iteration_bounds = array<i64: 5>, scalar_prefetch = 0 : i64, scratch_operands = 0 : i64, tpu.core_type = #tpu.core_type<tc>, window_params = [{transform_indices = @transform_0, window_bounds = array<i64: 2000, 128>}, {transform_indices = @transform_1, window_bounds = array<i64: 2000, 64>}, {transform_indices = @transform_2, window_bounds = array<i64: 2000, 1>}, {pipeline_mode = #tpu.pipeline_mode<synchronous>, transform_indices = @transform_3, window_bounds = array<i64: 1, 64>}, {pipeline_mode = #tpu.pipeline_mode<synchronous>, transform_indices = @transform_4, window_bounds = array<i64: 64, 32>}, {transform_indices = @transform_5, window_bounds = array<i64: 2000, 32>}]} {
    %get3A = arith.constant 0 : index
    %get3A_0 = arith.constant 0 : index
    %get3A_1 = vector.load %arg3[%get3A, %get3A_0] : memref<2000x1xf32, #tpu.memory_space<vmem>>, vector<2000x1xf32>
    %get3A_2 = arith.constant 0 : index
    %get3A_3 = arith.constant 0 : index
    %get3A_4 = vector.load %arg1[%get3A_2, %get3A_3] : memref<2000x128xf32, #tpu.memory_space<vmem>>, vector<2000x64xf32>
    %get3A_5 = arith.constant 0 : index
    %get3A_6 = arith.constant 64 : index
    %get3A_7 = vector.load %arg1[%get3A_5, %get3A_6] : memref<2000x128xf32, #tpu.memory_space<vmem>>, vector<2000x64xf32>
    %add3A = arith.addf %get3A_4, %get3A_7 : vector<2000x64xf32>
    %get3A_8 = arith.constant 0 : index
    %get3A_9 = arith.constant 0 : index
    %get3A_10 = vector.load %arg2[%get3A_8, %get3A_9] : memref<2000x64xf32, #tpu.memory_space<vmem>>, vector<2000x64xf32>
    %add3A_11 = arith.addf %add3A, %get3A_10 : vector<2000x64xf32>
    %mul3A = vector.broadcast %get3A_1 : vector<2000x1xf32> to vector<2000x64xf32>
    %mul3A_12 = arith.mulf %mul3A, %add3A_11 : vector<2000x64xf32>
    %get3A_13 = arith.constant 0 : index
    %get3A_14 = arith.constant 0 : index
    %get3A_15 = vector.load %arg4[%get3A_13, %get3A_14] : memref<1x64xf32, #tpu.memory_space<vmem>>, vector<1x64xf32>
    %add3A_16 = vector.broadcast %get3A_15 : vector<1x64xf32> to vector<2000x64xf32>
    %add3A_17 = arith.addf %mul3A_12, %add3A_16 : vector<2000x64xf32>
    %max3A = arith.constant 0.000000e+00 : f32
    %max3A_18 = vector.broadcast %max3A : f32 to vector<2000x64xf32>
    %max3A_19 = arith.maximumf %add3A_17, %max3A_18 : vector<2000x64xf32>
    %get3A_20 = arith.constant 0 : index
    %get3A_21 = arith.constant 0 : index
    %get3A_22 = vector.load %arg5[%get3A_20, %get3A_21] : memref<64x32xf32, #tpu.memory_space<vmem>>, vector<64x32xf32>
    %dot_general3A = arith.constant dense<0.000000e+00> : vector<2000x32xf32>
    %dot_general3A_23 = tpu.matmul %max3A_19, %get3A_22, %dot_general3A {dimension_numbers = #tpu.dot_dimension_numbers<[1], [0], [0], [1], [0, 0, 1, 1], [], []>, transpose_lhs_hint = false} : vector<2000x64xf32>, vector<64x32xf32>, vector<2000x32xf32> -> vector<2000x32xf32>
    %mul3A_24 = vector.broadcast %get3A_1 : vector<2000x1xf32> to vector<2000x32xf32>
    %mul3A_25 = arith.mulf %mul3A_24, %dot_general3A_23 : vector<2000x32xf32>
    %swap3A = arith.constant 0 : index
    %swap3A_26 = arith.constant 0 : index
    %swap3A_27 = vector.load %arg6[%swap3A, %swap3A_26] : memref<2000x32xf32, #tpu.memory_space<vmem>>, vector<2000x32xf32>
    tpu.vector_store %arg6[%swap3A, %swap3A_26], %mul3A_25 {strides = array<i32>} : memref<2000x32xf32, #tpu.memory_space<vmem>>, vector<2000x32xf32>,
    return
  }
  func.func @transform_0(%arg0: i32) -> (i32, i32) {
    %c0_i32 = arith.constant 0 : i32
    %c0_i32_0 = arith.constant 0 : i32
    return %arg0, %c0_i32 : i32, i32
  }
  func.func @transform_1(%arg0: i32) -> (i32, i32) {
    %c0_i32 = arith.constant 0 : i32
    %c0_i32_0 = arith.constant 0 : i32
    return %arg0, %c0_i32 : i32, i32
  }
  func.func @transform_2(%arg0: i32) -> (i32, i32) {
    %c0_i32 = arith.constant 0 : i32
    %c0_i32_0 = arith.constant 0 : i32
    return %arg0, %c0_i32 : i32, i32
  }
  func.func @transform_3(%arg0: i32) -> (i32, i32) {
    %c0_i32 = arith.constant 0 : i32
    %c0_i32_0 = arith.constant 0 : i32
    %c0_i32_1 = arith.constant 0 : i32
    return %c0_i32, %c0_i32_0 : i32, i32
  }
  func.func @transform_4(%arg0: i32) -> (i32, i32) {
    %c0_i32 = arith.constant 0 : i32
    %c0_i32_0 = arith.constant 0 : i32
    %c0_i32_1 = arith.constant 0 : i32
    return %c0_i32, %c0_i32_0 : i32, i32
  }
  func.func @transform_5(%arg0: i32) -> (i32, i32) {
    %c0_i32 = arith.constant 0 : i32
    %c0_i32_0 = arith.constant 0 : i32
    return %arg0, %c0_i32 : i32, i32
  }
}

module attributes {stable_mosaic.version = 14 : i64} {
  func.func @_mm3_body(%arg0: i32, %arg1: memref<2000x128xf32, #tpu.memory_space<vmem>>, %arg2: memref<2000x32xf32, #tpu.memory_space<vmem>>, %arg3: memref<2000x1xf32, #tpu.memory_space<vmem>>, %arg4: memref<1x32xf32, #tpu.memory_space<vmem>>, %arg5: memref<32x40xf32, #tpu.memory_space<vmem>>, %arg6: memref<1x40xf32, #tpu.memory_space<vmem>>, %arg7: memref<2000x32xf32, #tpu.memory_space<vmem>>, %arg8: memref<2000x40xf32, #tpu.memory_space<vmem>>) attributes {dimension_semantics = [#tpu.dimension_semantics<arbitrary>], iteration_bounds = array<i64: 5>, scalar_prefetch = 0 : i64, scratch_operands = 0 : i64, tpu.core_type = #tpu.core_type<tc>, window_params = [{transform_indices = @transform_0, window_bounds = array<i64: 2000, 128>}, {transform_indices = @transform_1, window_bounds = array<i64: 2000, 32>}, {transform_indices = @transform_2, window_bounds = array<i64: 2000, 1>}, {pipeline_mode = #tpu.pipeline_mode<synchronous>, transform_indices = @transform_3, window_bounds = array<i64: 1, 32>}, {pipeline_mode = #tpu.pipeline_mode<synchronous>, transform_indices = @transform_4, window_bounds = array<i64: 32, 40>}, {pipeline_mode = #tpu.pipeline_mode<synchronous>, transform_indices = @transform_5, window_bounds = array<i64: 1, 40>}, {transform_indices = @transform_6, window_bounds = array<i64: 2000, 32>}, {transform_indices = @transform_7, window_bounds = array<i64: 2000, 40>}]} {
    %get3A = arith.constant 0 : index
    %get3A_0 = arith.constant 0 : index
    %get3A_1 = vector.load %arg3[%get3A, %get3A_0] : memref<2000x1xf32, #tpu.memory_space<vmem>>, vector<2000x1xf32>
    %get3A_2 = arith.constant 0 : index
    %get3A_3 = arith.constant 0 : index
    %get3A_4 = vector.load %arg1[%get3A_2, %get3A_3] : memref<2000x128xf32, #tpu.memory_space<vmem>>, vector<2000x32xf32>
    %get3A_5 = arith.constant 0 : index
    %get3A_6 = arith.constant 32 : index
    %get3A_7 = vector.load %arg1[%get3A_5, %get3A_6] : memref<2000x128xf32, #tpu.memory_space<vmem>>, vector<2000x32xf32>
    %add3A = arith.addf %get3A_4, %get3A_7 : vector<2000x32xf32>
    %get3A_8 = arith.constant 0 : index
    %get3A_9 = arith.constant 0 : index
    %get3A_10 = vector.load %arg2[%get3A_8, %get3A_9] : memref<2000x32xf32, #tpu.memory_space<vmem>>, vector<2000x32xf32>
    %add3A_11 = arith.addf %add3A, %get3A_10 : vector<2000x32xf32>
    %mul3A = vector.broadcast %get3A_1 : vector<2000x1xf32> to vector<2000x32xf32>
    %mul3A_12 = arith.mulf %mul3A, %add3A_11 : vector<2000x32xf32>
    %get3A_13 = arith.constant 0 : index
    %get3A_14 = arith.constant 0 : index
    %get3A_15 = vector.load %arg4[%get3A_13, %get3A_14] : memref<1x32xf32, #tpu.memory_space<vmem>>, vector<1x32xf32>
    %add3A_16 = vector.broadcast %get3A_15 : vector<1x32xf32> to vector<2000x32xf32>
    %add3A_17 = arith.addf %mul3A_12, %add3A_16 : vector<2000x32xf32>
    %max3A = arith.constant 0.000000e+00 : f32
    %max3A_18 = vector.broadcast %max3A : f32 to vector<2000x32xf32>
    %max3A_19 = arith.maximumf %add3A_17, %max3A_18 : vector<2000x32xf32>
    %swap3A = arith.constant 0 : index
    %swap3A_20 = arith.constant 0 : index
    %swap3A_21 = vector.load %arg7[%swap3A, %swap3A_20] : memref<2000x32xf32, #tpu.memory_space<vmem>>, vector<2000x32xf32>
    tpu.vector_store %arg7[%swap3A, %swap3A_20], %max3A_19 {strides = array<i32>} : memref<2000x32xf32, #tpu.memory_space<vmem>>, vector<2000x32xf32>,
    %get3A_22 = arith.constant 0 : index
    %get3A_23 = arith.constant 0 : index
    %get3A_24 = vector.load %arg5[%get3A_22, %get3A_23] : memref<32x40xf32, #tpu.memory_space<vmem>>, vector<32x40xf32>
    %dot_general3A = arith.constant dense<0.000000e+00> : vector<2000x40xf32>
    %dot_general3A_25 = tpu.matmul %max3A_19, %get3A_24, %dot_general3A {dimension_numbers = #tpu.dot_dimension_numbers<[1], [0], [0], [1], [0, 0, 1, 1], [], []>, transpose_lhs_hint = false} : vector<2000x32xf32>, vector<32x40xf32>, vector<2000x40xf32> -> vector<2000x40xf32>
    %get3A_26 = arith.constant 0 : index
    %get3A_27 = arith.constant 0 : index
    %get3A_28 = vector.load %arg6[%get3A_26, %get3A_27] : memref<1x40xf32, #tpu.memory_space<vmem>>, vector<1x40xf32>
    %add3A_29 = vector.broadcast %get3A_28 : vector<1x40xf32> to vector<2000x40xf32>
    %add3A_30 = arith.addf %dot_general3A_25, %add3A_29 : vector<2000x40xf32>
    %swap3A_31 = arith.constant 0 : index
    %swap3A_32 = arith.constant 0 : index
    %swap3A_33 = vector.load %arg8[%swap3A_31, %swap3A_32] : memref<2000x40xf32, #tpu.memory_space<vmem>>, vector<2000x40xf32>
    tpu.vector_store %arg8[%swap3A_31, %swap3A_32], %add3A_30 {strides = array<i32>} : memref<2000x40xf32, #tpu.memory_space<vmem>>, vector<2000x40xf32>,
    return
  }
  func.func @transform_0(%arg0: i32) -> (i32, i32) {
    %c0_i32 = arith.constant 0 : i32
    %c0_i32_0 = arith.constant 0 : i32
    return %arg0, %c0_i32 : i32, i32
  }
  func.func @transform_1(%arg0: i32) -> (i32, i32) {
    %c0_i32 = arith.constant 0 : i32
    %c0_i32_0 = arith.constant 0 : i32
    return %arg0, %c0_i32 : i32, i32
  }
  func.func @transform_2(%arg0: i32) -> (i32, i32) {
    %c0_i32 = arith.constant 0 : i32
    %c0_i32_0 = arith.constant 0 : i32
    return %arg0, %c0_i32 : i32, i32
  }
  func.func @transform_3(%arg0: i32) -> (i32, i32) {
    %c0_i32 = arith.constant 0 : i32
    %c0_i32_0 = arith.constant 0 : i32
    %c0_i32_1 = arith.constant 0 : i32
    return %c0_i32, %c0_i32_0 : i32, i32
  }
  func.func @transform_4(%arg0: i32) -> (i32, i32) {
    %c0_i32 = arith.constant 0 : i32
    %c0_i32_0 = arith.constant 0 : i32
    %c0_i32_1 = arith.constant 0 : i32
    return %c0_i32, %c0_i32_0 : i32, i32
  }
  func.func @transform_5(%arg0: i32) -> (i32, i32) {
    %c0_i32 = arith.constant 0 : i32
    %c0_i32_0 = arith.constant 0 : i32
    %c0_i32_1 = arith.constant 0 : i32
    return %c0_i32, %c0_i32_0 : i32, i32
  }
  func.func @transform_6(%arg0: i32) -> (i32, i32) {
    %c0_i32 = arith.constant 0 : i32
    %c0_i32_0 = arith.constant 0 : i32
    return %arg0, %c0_i32 : i32, i32
  }
  func.func @transform_7(%arg0: i32) -> (i32, i32) {
    %c0_i32 = arith.constant 0 : i32
    %c0_i32_0 = arith.constant 0 : i32
    return %arg0, %c0_i32 : i32, i32
  }
}

</mosaic_0001>

<sc_bundles>
// kernel: kernel.11.cloned.1.call-start
scs
__scs_entry_jumppad:
0x0: {  	(pc) =	sbr.rel $0x88, $3  }
0x1: {  	(tag) =	ssettag $0x0;
	lr =	simm.s32 $0x1  }
0x2: {  	[smem:$0x3F99] =	sst lr;
	_ =	strace $0xD0000000  }
0x3: {  	_ = 	snop  }
0x4: {  	_ = 	snop  }
0x5: {  	_ = 	snop  }
0x6: {  	_ = 	snop  }
0x7: {  	_ = 	snop  }
__scs_overlays_trampoline_lowered:
0x8: {  	[smem:$0x3FA8] =	sst s0  }
0x9: {  	[smem:$0x3FA9] =	sst s1  }
0xa: {  	[smem:$0x3FAA] =	sst s2  }
0xb: {  	[smem:$0x3FAB] =	sst s3  }
0xc: {  	[smem:$0x3FAC] =	sst s4  }
0xd: {  	[smem:$0x3FAD] =	sst s5  }
0xe: {  	[smem:$0x3FAE] =	sst s6  }
0xf: {  	[smem:$0x3FAF] =	sst s7  }
0x10: {  	[smem:$0x3FB0] =	sst s8  }
0x11: {  	[smem:$0x3FB1] =	sst s9;
	s0 =	simm.s32 @!p0 $0x0  }
0x12: {  	s1 =	sld [smem:$0x3F97];
	s0 =	simm.s32 @p0 $0x1  }
0x13: {  	[smem:$0x3FB2] =	sst s0;
	s0 =	simm.s32 @!p1 $0x0  }
0x14: {  	s2 =	sld [smem:$0x3F96];
	s0 =	simm.s32 @p1 $0x1  }
0x15: {  	[smem:$0x3FB3] =	sst s0;
	s0 =	simm.s32 @!p2 $0x0  }
0x16: {  	s3 =	sld [smem:$0x3FDB];
	s0 =	simm.s32 @p2 $0x1  }
0x17: {  	s4 =	simm.s32 $0x1BF5;
	[smem:$0x3FB5] =	sst s0  }
0x18: {  	s0 =	sld [smem:$0x3F98];
	_ =	swait.ge [sflag:s4], $0x0  }
0x19: {  	s7 =	sld [smem:$0x3F99]  }
0x1a: {  	s8 =	sadd.s32 $0xFFFFE003, lr  }
0x1b: {  	s9 =	sadd.s32 $0xFFFFFEF7, lr;
	s5 =	simm.s32 $0xFFFFFFFF;
	p2 =	slt.u32 s8, $0xFFFFF086  }
0x1c: {  	p1 =	slt.u32 s9, $0xF7A;
	s5 =	simm.s32 @!p2 $0x0  }
0x1d: {  	s5 =	simm.s32 @p1 $0x1;
	p0 =	seq.s32 s7, s2  }
0x1e: {  	s7 =	smul.u32 @!p0 $0xF7A, s2;
	p2 =	seq.s32 @!p0 s5, $0x0  }
0x1f: {  	s9 =	smul.u32 $0xF7A, s1;
	s8 =	simm.s32 @!p0 $0x1BF5;
	p2 =	por !p2, p0  }
0x20: {  	[sflag:s8] =	ssyncset.s32 @!p0 $0xFFFFF086;
	s6 =	sadd.s32 @!p0 s3, s7;
	s7 =	simm.s32 @!p0 $0x108  }
0x21: {  	s3 =	sadd.s32 s3, s9;
	s6 =	sadd.s32 @!p0 $0x88, s6;
	s7 =	simm.s32 @p2 $0x1082  }
0x22: {  	[simem:s7], [sflag:s8] =	dma.local @!p0 [hbm:s6], $0xF7A  }
0x23: {  	s9 =	sor.u32 $0xD0000000, s2;
	s6 =	simm.s32 $0x108;
	_ =	swait.ge @!p0 [sflag:s8], $0x0  }
0x24: {  	s3 =	sadd.s32 $0x88, s3;
	s6 =	simm.s32 @!p1 $0x1082;
	[sflag:s4] =	ssyncset.s32 $0xFFFFF086  }
0x25: {  	[simem:s6], [sflag:s4] =	dma.local [hbm:s3], $0xF7A  }
0x26: {  	[smem:$0x3F99] =	sst s1;
	(tag) =	ssettag s2;
	_ =	strace s9  }
0x27: {  	s1 =	sld [smem:$0x3FA9]  }
0x28: {  	s2 =	sld [smem:$0x3FAA]  }
0x29: {  	s4 =	sld [smem:$0x3FAC]  }
0x2a: {  	p0 =	seq.s32 s5, $0x0;
	s5 =	sld [smem:$0x3FAD]  }
0x2b: {  	s6 =	sld [smem:$0x3FAE]  }
0x2c: {  	s7 =	sld [smem:$0x3FAF]  }
0x2d: {  	s3 =	simm.s32 $0x108;
	s8 =	sld [smem:$0x3FB0]  }
0x2e: {  	s3 =	simm.s32 @!p0 $0x1082;
	s9 =	sld [smem:$0x3FB1]  }
0x2f: {  	lr =	sadd.s32 s0, s3;
	s0 =	sld [smem:$0x3FA8]  }
0x30: {  	s3 =	sld [smem:$0x3FAB]  }
0x31: {  	[smem:$0x3FB4] =	sst s10  }
0x32: {  	s10 =	sld [smem:$0x3FB2];
	_ =	sdelay $0x3  }
0x33: {  	p0 =	seq.s32 s10, $0x1;
	s10 =	sld [smem:$0x3FB4];
	_ =	sdelay $0x3  }
0x34: {  	[smem:$0x3FB4] =	sst s10  }
0x35: {  	s10 =	sld [smem:$0x3FB3];
	_ =	sdelay $0x3  }
0x36: {  	p1 =	seq.s32 s10, $0x1;
	s10 =	sld [smem:$0x3FB4];
	_ =	sdelay $0x3  }
0x37: {  	[smem:$0x3FB4] =	sst s10  }
0x38: {  	s10 =	sld [smem:$0x3FB5]  }
0x39: {  	_ = 	snop;
	(pc) =	sbr.ind lr, $3  }
0x3a: {  	_ = 	snop  }
0x3b: {  	_ = 	snop  }
0x3c: {  	p2 =	seq.s32 s10, $0x1;
	s10 =	sld [smem:$0x3FB4]  }
0x3d: {  	_ =	shalt  }
0x3e: {  	_ =	shalt  }
0x3f: {  	_ =	shalt  }
0x40: {  	_ =	shalt  }
0x41: {  	_ =	shalt  }
0x42: {  	_ =	shalt  }
0x43: {  	_ =	shalt  }
0x44: {  	_ =	shalt  }
0x45: {  	_ =	shalt  }
0x46: {  	_ =	shalt  }
0x47: {  	_ =	shalt  }
0x48: {  	_ =	shalt  }
0x49: {  	_ =	shalt  }
0x4a: {  	_ =	shalt  }
0x4b: {  	_ =	shalt  }
0x4c: {  	_ =	shalt  }
0x4d: {  	_ =	shalt  }
0x4e: {  	_ =	shalt  }
0x4f: {  	_ =	shalt  }
0x50: {  	_ =	shalt  }
0x51: {  	_ =	shalt  }
0x52: {  	_ =	shalt  }
0x53: {  	_ =	shalt  }
0x54: {  	_ =	shalt  }
0x55: {  	_ =	shalt  }
0x56: {  	_ =	shalt  }
0x57: {  	_ =	shalt  }
0x58: {  	_ =	shalt  }
0x59: {  	_ =	shalt  }
0x5a: {  	_ =	shalt  }
0x5b: {  	_ =	shalt  }
0x5c: {  	_ =	shalt  }
0x5d: {  	_ =	shalt  }
0x5e: {  	_ =	shalt  }
0x5f: {  	_ =	shalt  }
0x60: {  	_ =	shalt  }
0x61: {  	_ =	shalt  }
0x62: {  	_ =	shalt  }
0x63: {  	_ =	shalt  }
0x64: {  	_ =	shalt  }
0x65: {  	_ =	shalt  }
0x66: {  	_ =	shalt  }
0x67: {  	_ =	shalt  }
0x68: {  	_ =	shalt  }
0x69: {  	_ =	shalt  }
0x6a: {  	_ =	shalt  }
0x6b: {  	_ =	shalt  }
0x6c: {  	_ =	shalt  }
0x6d: {  	_ =	shalt  }
0x6e: {  	_ =	shalt  }
0x6f: {  	_ =	shalt  }
0x70: {  	_ =	shalt  }
0x71: {  	_ =	shalt  }
0x72: {  	_ =	shalt  }
0x73: {  	_ =	shalt  }
0x74: {  	_ =	shalt  }
0x75: {  	_ =	shalt  }
0x76: {  	_ =	shalt  }
0x77: {  	_ =	shalt  }
0x78: {  	_ =	shalt  }
0x79: {  	_ =	shalt  }
0x7a: {  	_ =	shalt  }
0x7b: {  	_ =	shalt  }
0x7c: {  	_ =	shalt  }
0x7d: {  	_ =	shalt  }
0x7e: {  	_ =	shalt  }
0x7f: {  	_ =	shalt  }
0x80: {  	_ =	shalt  }
0x81: {  	_ =	shalt  }
0x82: {  	_ =	shalt  }
0x83: {  	_ =	shalt  }
0x84: {  	_ =	shalt  }
0x85: {  	_ =	shalt  }
0x86: {  	_ =	shalt  }
0x87: {  	_ =	shalt  }
.Lfunc_end0:
.L_simem_size_0:
called_computation.1_lowered:
.L_overlay_start_0:
0x88: {  	s2 =	sld [smem:$0x3FD9]  }
0x89: {  	s3 =	sld [smem:$0x3FFE];
	_ =	sdelay $0x1  }
0x8a: {  	s1 =	srdreg.scid  }
0x8b: {  	s0 =	sand.u32 $0x1, s1  }
0x8c: {  	s16 =	sshll.u32 s0, $0xA;
	s2 =	sadd.s32 s3, s2  }
0x8d: {  	s2 =	sadd.s32 s2, s16  }
0x8e: {  	[smem:$0x3FC0] =	sst s2  }
0x8f: {  	_ = 	snop  }
0x90: {  	(tm) =	ssettm $0x1  }
0x91: {  	s17 =	sld [smem:$0x3FFB];
	_ =	sdelay $0x3  }
0x92: {  	_ =	strace s17  }
0x93: {  	s2 =	sld [smem:$0x3FFC];
	_ =	sdelay $0x3  }
0x94: {  	_ =	strace s2  }
0x95: {  	s2 =	sld [smem:$0x3FFD];
	_ =	sdelay $0x3  }
0x96: {  	_ =	strace s2  }
0x97: {  	_ =	strace $0x8FFFFFFF  }
0x98: {  	s18 =	sld [smem:$0x3FDB];
	_ =	sdelay $0x1  }
0x99: {  	s19 =	simm.s32 $_scs_section_size  }
0x9a: {  	s4 =	simm.s32 $_size__tile_overlayer_lowered;
	s5 =	simm.s32 $_tile_overlayer_lowered  }
0x9b: {  	s22 =	simm.s32 $0x1BFF;
	s21 =	sshll.u32 s5, $0x1;
	s2 =	sadd.s32 s19, s18  }
0x9c: {  	s6 =	simm.s32 $0x0;
	s20 =	sshll.u32 s4, $0x1;
	s4 =	sadd.s32 s21, s2  }
0x9d: {  	[timem:s6], [sflag:s22] =	dma.local [hbm:s4], s20  }
0x9e: {  	_ =	swait.ge [sflag:s22], s20  }
0x9f: {  	s3 =	ssub.s32 $0x0, s20;
	[sflag:s22] =	ssyncset.done $0x0  }
0xa0: {  	[sflag:s22] =	ssyncadd.s32 s3;
	_ =	sdelay $0x1  }
0xa1: {  	s23 =	simm.s32 $0x1B8B  }
0xa2: {  	_ =	swait.ge [sflag:s23], $0x1  }
0xa3: {  	[sflag:s23] =	ssyncset.done $0x0  }
0xa4: {  	s25 =	simm.s32 $0x1B8E;
	s24 =	sld [smem:$0x3FFE];
	[sflag:s23] =	ssyncadd.s32 $0xFFFFFFFF  }
0xa5: {  	s26 =	simm.s32 $execute0_lowered;
	[smem:$0x3FD2] =	sst s25  }
0xa6: {  	s4 =	sshll.u32 s26, $0x1;
	_ =	strace $0x80000049;
	[dreg:$0x1] =	wrdreg $0xFFFFFFFF  }
0xa7: {  	s28 =	simm.s32 $_size_execute0_lowered;
	s2 =	sadd.s32 s2, s4;
	[dreg:$0x0] =	wrdreg $0x0  }
0xa8: {  	s4 =	sshll.u32 s28, $0x1;
	[dreg:$0x2] =	wrdreg s2  }
0xa9: {  	[dreg:$0x3] =	wrdreg s4  }
0xaa: {  	[dreg:$0x4] =	wrdreg $0xC0  }
0xab: {  	_ =	task [dreg:s6], $0x5FFFF  }
0xac: {  	[dreg:$0x1] =	wrdreg $0xFFFFFFFF  }
0xad: {  	[dreg:$0x0] =	wrdreg $0x60  }
0xae: {  	[dreg:$0x2] =	wrdreg s24  }
0xaf: {  	[dreg:$0x3] =	wrdreg $0xAE200  }
0xb0: {  	[dreg:$0x4] =	wrdreg $0x9  }
0xb1: {  	_ =	task.clear_ibuf [dreg:s6], $0x5FFFF;
	_ =	strace $0x90000049  }
0xb2: {  	s29 =	simm.s32 $0x9;
	_ =	strace $0x8000004B  }
0xb3: {  	_ =	swait.ge [sflag:s29], $0x1  }
0xb4: {  	[sflag:s29] =	ssyncadd.s32 $0xFFFFFFFF  }
0xb5: {  	_ =	strace $0x9000004B  }
0xb6: {  	_ =	sfence  }
0xb7: {  	s30 =	sld [smem:$0x0];
	_ =	sdelay $0x2  }
0xb8: {  	s31 =	sshll.u32 s1, $0xD;
	s1 =	sshrl.u32 s1, $0x2  }
0xb9: {  	s3 =	sand.u32 $0x4000, s31;
	s1 =	sadd.s32 s1, s30  }
0xba: {  	s0 =	sor.u32 s3, s0;
	s1 =	sshll.u32 s1, $0x11  }
0xbb: {  	s0 =	sor.u32 s1, s0  }
0xbc: {  	s0 =	sadd.s32 $0x8F2B, s0  }
0xbd: {  	[sflag:s0] =	ssyncadd.remote.s32 $0x1  }
0xbe: {  	_ =	sfence.sel $0xFFFF  }
0xbf: {  	[dreg:$0x0] =	wrdreg $0xFFFFFFFF;
	(pc) =	sbr.abs _section_cstart, $3  }
0xc0: {  	[dreg:$0x1] =	wrdreg $0xFFFFFFFF  }
0xc1: {  	_ =	task.clear_ibuf [dreg:s6], $0x2FFFF;
	_ =	strace $0x9FFFFFFF  }
0xc2: {  	(tm) =	ssettm $0x7FFFFFFF  }
0xc3: {  	_ =	shalt  }
tec
execute0_lowered:
.L_overlay_start_1:
0x0: {  	(tag) =	ssettag $0x1  }
0x1: {  	s5 =	rddreg [dreg:$0x0]  }
0x2: {  	s1 =	srdreg.scid;
	s0 =	stileid.u32  }
0x3: {  	s2 =	rddreg [dreg:$0x1];
	s3 =	simm.s32 $0x0;
	s14 =	simm.s32 $0x3  }
0x4: {  	s15 =	simm.s32 $0x2710;
	s16 =	simm.s32 $0x8E20;
	s17 =	simm.s32 $0x80  }
0x5: {  	s18 =	simm.s32 $0x4E20;
	s19 =	simm.s32 $0x6E20;
	s20 =	simm.s32 $0x1  }
0x6: {  	s21 =	simm.s32 $0x2;
	s22 =	simm.s32 $0x4D10;
	s23 =	simm.s32 $0x4D90  }
0x7: {  	s24 =	simm.s32 $0x10;
	s25 =	simm.s32 $0x2700;
	s26 =	simm.s32 $0x4E10  }
0x8: {  	s28 =	simm.s32 $0x8;
	s29 =	simm.s32 $0x0;
	s6 =	sand.u32 $0x1, s1  }
0x9: {  	s4 =	sshll.u32 s0, $0x1;
	[smem:$0x7FF] =	sst s3;
	s8 =	smul.u32 $0x14000, s0  }
0xa: {  	s30 =	smul.u32 $0x28000, s0;
	s4 =	sor.u32 s6, s4;
	_ =	strace $0x8000004A  }
0xb: {  	s9 =	sshll.u32 s6, $0x6;
	s6 =	ssub.s32 $0x2, s6;
	s7 =	smul.u32 $0x2710, s4  }
0xc: {  	s4 =	sadd.s32 $0x3E000, s5;
	s8 =	sor.u32 s9, s8;
	s10 =	sshrl.u32 s6, $0x1  }
0xd: {  	s31 =	sshrl.u32 s30, $0x2;
	s8 =	sshrl.u32 s8, $0x3;
	s7 =	sshrl.u32 s7, $0x3  }
0xe: {  	s13 =	ssub.s32 s6, s10;
	s12 =	sadd.s32 s8, s5;
	s7 =	sadd.s32 s7, s5  }
0xf: {  	s5 =	sadd.s32 $0x3400, s7;
	s6 =	sadd.s32 $0xD040, s7;
	s7 =	sadd.s32 s31, s2  }
0x10: {  	s13 =	smax.u32 s13, $0x1;
	s12 =	sadd.s32 $0x51A00, s12;
	s8 =	sadd.s32 $0x2000, s7  }
0x11: {  	v0 =	vimm.f32 $0.0e+00;
	s9 =	sadd.s32 $0x4000, s7;
	s10 =	sadd.s32 $0x6000, s7;
	s11 =	sadd.s32 $0x8000, s7  }
.LBB2_1:
0x12: {  	[tilespmem:s3], [sflag:$0x3] =	stream.linear.gather [hbm4b:s5+s3], $0x2710, $0x38;
	[tilespmem:$0x14E20] =	vst v63  }
0x13: {  	_ =	swait.ge [sflag:s14], $0x2710  }
0x14: {  	[sflag:s14] =	ssyncset.done $0x0  }
0x15: {  	[sflag:s14] =	ssyncadd.s32 $0xFFFFD8F0  }
0x16: {  	[tilespmem:s15], [sflag:$0x3] =	stream.linear.gather [hbm4b:s6+s3], $0x2710, $0x38;
	[tilespmem:$0x14E20] =	vst v63  }
0x17: {  	_ =	swait.ge [sflag:s14], $0x2710  }
0x18: {  	[sflag:s14] =	ssyncset.done $0x0  }
0x19: {  	s31 =	simm.s32 $0x100;
	s30 =	simm.s32 $0x0;
	[sflag:s14] =	ssyncadd.s32 $0xFFFFD8F0  }
.LBB2_2:
0x1a: {  	p0 =	sne.s32 s31, $0x7F00;
	[tilespmem:s30+$0x8E50] =	vst v0;
	s1 =	smov.u32 s31;
	s31 =	sadd.s32 $0x100, s31  }
.Ltmp0:
0x1b: {  	[tilespmem:s30+$0x8E40] =	vst v0;
	(pc) =	sbr.rel @p0 .LBB2_2-.Ltmp0, $3  }
0x1c: {  	[tilespmem:s30+$0x8E20] =	vst v0  }
0x1d: {  	[tilespmem:s30+$0x8E30] =	vst v0;
	_ =	sdelay $0x1  }
0x1e: {  	s30 =	sshra.s32 s1, $0x2  }
0x1f: {  	[tilespmem:s30+$0x8E50] =	vst v0  }
0x20: {  	[tilespmem:s30+$0x8E40] =	vst v0  }
0x21: {  	[tilespmem:s30+$0x8E20] =	vst v0  }
0x22: {  	[tilespmem:s30+$0x8E30] =	vst v0  }
0x23: {  	[spmem:s7] =	stream.linear.scatter [tilespmem:s16], [sflag:$0x3], $0x2000, $0x38;
	[tilespmem:$0x14E20] =	vst v63  }
0x24: {  	_ =	swait.ge [sflag:s14], $0x2000  }
0x25: {  	[sflag:s14] =	ssyncset.done $0x0  }
0x26: {  	[sflag:s14] =	ssyncadd.s32 $0xFFFFE000  }
0x27: {  	[spmem:s8] =	stream.linear.scatter [tilespmem:s16], [sflag:$0x3], $0x2000, $0x38;
	[tilespmem:$0x14E20] =	vst v63  }
0x28: {  	_ =	swait.ge [sflag:s14], $0x2000  }
0x29: {  	[sflag:s14] =	ssyncset.done $0x0  }
0x2a: {  	[sflag:s14] =	ssyncadd.s32 $0xFFFFE000  }
0x2b: {  	[spmem:s9] =	stream.linear.scatter [tilespmem:s16], [sflag:$0x3], $0x2000, $0x38;
	[tilespmem:$0x14E20] =	vst v63  }
0x2c: {  	_ =	swait.ge [sflag:s14], $0x2000  }
0x2d: {  	[sflag:s14] =	ssyncset.done $0x0  }
0x2e: {  	[sflag:s14] =	ssyncadd.s32 $0xFFFFE000  }
0x2f: {  	[spmem:s10] =	stream.linear.scatter [tilespmem:s16], [sflag:$0x3], $0x2000, $0x38;
	[tilespmem:$0x14E20] =	vst v63  }
0x30: {  	_ =	swait.ge [sflag:s14], $0x2000  }
0x31: {  	[sflag:s14] =	ssyncset.done $0x0  }
0x32: {  	[sflag:s14] =	ssyncadd.s32 $0xFFFFE000  }
0x33: {  	[spmem:s11] =	stream.linear.scatter [tilespmem:s16], [sflag:$0x3], $0x2000, $0x38;
	[tilespmem:$0x14E20] =	vst v63  }
0x34: {  	_ =	swait.ge [sflag:s14], $0x2000  }
0x35: {  	[sflag:s14] =	ssyncset.done $0x0  }
0x36: {  	[sflag:s14] =	ssyncadd.s32 $0xFFFFE000  }
0x37: {  	s1 =	simm.s32 $0x0;
	[bflag:$0x0] =	sbarrier.arrive $0xFFFF  }
0x38: {  	[tilespmem:s18], [sflag:$0x1] =	stream.indirect.gather [hbm4b:s4+s17], $0x40, s1, s17, $0xb8;
	[tilespmem:$0x14E20] =	vst v63  }
0x39: {  	_ = 	snop  }
0x3a: {  	[tilespmem:s19], [sflag:$0x2] =	stream.indirect.gather [hbm4b:s4+s17], $0x40, s17, s17, $0xb8;
	[tilespmem:$0x14E20] =	vst v63  }
0x3b: {  	_ =	swait.ge [sflag:s20], $0x2000  }
0x3c: {  	[sflag:s20] =	ssyncset.done $0x0  }
0x3d: {  	s1 =	simm.s32 $0x2710;
	[sflag:s20] =	ssyncadd.s32 $0xFFFFE000  }
0x3e: {  	[spmem:s2] =	stream.indirect.scatter.add.f32 [tilespmem:s18], [sflag:$0x3], $0x40, s1, s17, $0xb8;
	[tilespmem:$0x14E20] =	vst v63  }
0x3f: {  	_ =	swait.ge [sflag:s14], $0x2000  }
0x40: {  	[sflag:s14] =	ssyncset.done $0x0  }
0x41: {  	s1 =	simm.s32 $0x100;
	[sflag:s14] =	ssyncadd.s32 $0xFFFFE000  }
0x42: {  	[tilespmem:s18], [sflag:$0x1] =	stream.indirect.gather [hbm4b:s4+s17], $0x40, s1, s17, $0xb8;
	[tilespmem:$0x14E20] =	vst v63  }
0x43: {  	_ =	swait.ge [sflag:s21], $0x2000  }
0x44: {  	[sflag:s21] =	ssyncset.done $0x0  }
0x45: {  	s1 =	simm.s32 $0x2790;
	[sflag:s21] =	ssyncadd.s32 $0xFFFFE000  }
0x46: {  	[spmem:s2] =	stream.indirect.scatter.add.f32 [tilespmem:s19], [sflag:$0x3], $0x40, s1, s17, $0xb8;
	[tilespmem:$0x14E20] =	vst v63  }
0x47: {  	_ =	swait.ge [sflag:s14], $0x2000  }
0x48: {  	[sflag:s14] =	ssyncset.done $0x0  }
0x49: {  	s30 =	simm.s32 $0x400;
	s31 =	simm.s32 $0x180;
	[sflag:s14] =	ssyncadd.s32 $0xFFFFE000  }
.LBB2_4:
0x4a: {  	[tilespmem:s19], [sflag:$0x2] =	stream.indirect.gather [hbm4b:s4+s17], $0x40, s31, s17, $0xb8;
	[tilespmem:$0x14E20] =	vst v63  }
0x4b: {  	s1 =	smov.u32 s30  }
0x4c: {  	p0 =	sne.s32 s30, $0x9400;
	s30 =	sadd.s32 $0x400, s30;
	_ =	swait.ge [sflag:s20], $0x2000  }
0x4d: {  	s1 =	sshra.s32 s1, $0x2;
	[sflag:s20] =	ssyncset.done $0x0  }
0x4e: {  	s31 =	sadd.s32 $0x2710, s1;
	[sflag:s20] =	ssyncadd.s32 $0xFFFFE000  }
0x4f: {  	[spmem:s2] =	stream.indirect.scatter.add.f32 [tilespmem:s18], [sflag:$0x3], $0x40, s31, s17, $0xb8;
	[tilespmem:$0x14E20] =	vst v63  }
0x50: {  	_ =	swait.ge [sflag:s14], $0x2000  }
0x51: {  	[sflag:s14] =	ssyncset.done $0x0  }
0x52: {  	s31 =	sadd.s32 $0x100, s1;
	[sflag:s14] =	ssyncadd.s32 $0xFFFFE000  }
0x53: {  	[tilespmem:s18], [sflag:$0x1] =	stream.indirect.gather [hbm4b:s4+s17], $0x40, s31, s17, $0xb8;
	[tilespmem:$0x14E20] =	vst v63  }
0x54: {  	_ =	swait.ge [sflag:s21], $0x2000  }
0x55: {  	[sflag:s21] =	ssyncset.done $0x0  }
.Ltmp1:
0x56: {  	s31 =	sadd.s32 $0x2790, s1;
	[sflag:s21] =	ssyncadd.s32 $0xFFFFE000;
	(pc) =	sbr.rel @p0 .LBB2_4-.Ltmp1, $4  }
0x57: {  	[spmem:s2] =	stream.indirect.scatter.add.f32 [tilespmem:s19], [sflag:$0x3], $0x40, s31, s17, $0xb8;
	[tilespmem:$0x14E20] =	vst v63  }
0x58: {  	_ =	swait.ge [sflag:s14], $0x2000  }
0x59: {  	[sflag:s14] =	ssyncset.done $0x0  }
0x5a: {  	s31 =	sadd.s32 $0x180, s1;
	[sflag:s14] =	ssyncadd.s32 $0xFFFFE000  }
0x5b: {  	[tilespmem:s19], [sflag:$0x2] =	stream.indirect.gather [hbm4b:s4+s17], $0x40, s31, s17, $0xb8;
	[tilespmem:$0x14E20] =	vst v63  }
0x5c: {  	_ =	swait.ge [sflag:s20], $0x2000  }
0x5d: {  	[sflag:s20] =	ssyncset.done $0x0  }
0x5e: {  	[sflag:s20] =	ssyncadd.s32 $0xFFFFE000  }
0x5f: {  	[spmem:s2] =	stream.indirect.scatter.add.f32 [tilespmem:s18], [sflag:$0x3], $0x40, s22, s17, $0xb8;
	[tilespmem:$0x14E20] =	vst v63  }
0x60: {  	_ =	swait.ge [sflag:s14], $0x2000  }
0x61: {  	[sflag:s14] =	ssyncset.done $0x0  }
0x62: {  	[sflag:s14] =	ssyncadd.s32 $0xFFFFE000  }
0x63: {  	_ =	swait.ge [sflag:s21], $0x2000  }
0x64: {  	[sflag:s21] =	ssyncset.done $0x0  }
0x65: {  	[sflag:s21] =	ssyncadd.s32 $0xFFFFE000  }
0x66: {  	[spmem:s2] =	stream.indirect.scatter.add.f32 [tilespmem:s19], [sflag:$0x3], $0x40, s23, s17, $0xb8;
	[tilespmem:$0x14E20] =	vst v63  }
0x67: {  	_ =	swait.ge [sflag:s14], $0x2000  }
0x68: {  	[sflag:s14] =	ssyncset.done $0x0  }
0x69: {  	[sflag:s14] =	ssyncadd.s32 $0xFFFFE000  }
0x6a: {  	[tilespmem:s19], [sflag:$0x1] =	stream.indirect.gather [hbm4b:s4+s24], $0x40, s25, s24, $0xb8;
	[tilespmem:$0x14E20] =	vst v63  }
0x6b: {  	_ =	swait.ge [sflag:s20], $0x400  }
0x6c: {  	[sflag:s20] =	ssyncset.done $0x0  }
0x6d: {  	[sflag:s20] =	ssyncadd.s32 $0xFFFFFC00  }
0x6e: {  	[spmem:s2] =	stream.indirect.scatter.add.f32 [tilespmem:s19], [sflag:$0x3], $0x40, s26, s24, $0xb8;
	[tilespmem:$0x14E20] =	vst v63  }
0x6f: {  	_ =	swait.ge [sflag:s14], $0x400  }
0x70: {  	s1 =	sshll.u32 s0, $0x6;
	s29 =	sadd.s32 $0x1, s29;
	[sflag:s14] =	ssyncset.done $0x0  }
0x71: {  	s30 =	sshrl.u32 s7, $0x3;
	p0 =	sne.s32 s29, s13;
	[sflag:s14] =	ssyncadd.s32 $0xFFFFFC00  }
.Ltmp2:
0x72: {  	s1 =	sor.u32 $0x1C03, s1;
	[bflag:$0x0] =	sbarrier.arrive $0xFFFF;
	(pc) =	sbr.rel @p0 .LBB2_1-.Ltmp2, $4  }
0x73: {  	[hbm:s12@s24], [sflag:s1] =	dma.strided [spmem:s30@s28], $0x1400, s20, $0x8   }
0x74: {  	_ =	swait.ge [sflag:s14], $0x1400  }
0x75: {  	[sflag:s14] =	ssyncset.done $0x0  }
0x76: {  	[sflag:s14] =	ssyncadd.s32 $0xFFFFEC00  }
0x77: {  	_ =	sfence.sel $0x180000  }
0x78: {  	[bflag:$0x0] =	sbarrier.arrive $0xFFFF  }
0x79: {  	_ =	strace $0x9000004A  }
0x7a: {  	[bflag:$0x2] =	sbarrier.arrive $0xFFFF  }
0x7b: {  	p0 =	sne.s32 s0, $0x0;
	s0 =	rddreg [dreg:$0x2]  }
0x7c: {  	s0 =	sadd.s32 @!p0 $0x100000, s0  }
0x7d: {  	[sflag:s0] =	ssyncadd.tile.s32 @!p0 $0x1;
	_ =	shalt  }
.Lfunc_end2:
_tile_overlayer_lowered:
.L_overlay_start_2:
0x7e: {  	(tag) =	ssettag $0x2  }
0x7f: {  	s0 =	rddreg [dreg:$0x0];
	s2 =	stileid.u32  }
0x80: {  	s1 =	rddreg [dreg:$0x1];
	p0 =	sne.s32 s2, $0x0  }
0x81: {  	s3 =	rddreg [dreg:$0x2];
	[bflag:$0x3] =	sbarrier.arrive $0xFFFF;
	s2 =	simm.s32 @!p0 $0x1C03  }
0x82: {  	[timem:s3], [sflag:s2] =	dma.local @!p0 [hbm:s0], s1  }
0x83: {  	s0 =	simm.s32 @!p0 $0x3  }
0x84: {  	_ =	swait.ge @!p0 [sflag:s0], s1  }
0x85: {  	s1 =	ssub.s32 @!p0 $0x0, s1;
	[sflag:s0] =	ssyncset.done @!p0 $0x0  }
0x86: {  	[sflag:s0] =	ssyncadd.s32 @!p0 s1  }
0x87: {  	[bflag:$0x3] =	sbarrier.arrive $0xFFFF  }
0x88: {  	_ =	shalt  }

// kernel: kernel.14.cloned.1.call-start
scs
__scs_entry_jumppad:
0x0: {  	(pc) =	sbr.rel $0x88, $3  }
0x1: {  	(tag) =	ssettag $0x0;
	lr =	simm.s32 $0x1  }
0x2: {  	[smem:$0x3F99] =	sst lr;
	_ =	strace $0xD0000000  }
0x3: {  	_ = 	snop  }
0x4: {  	_ = 	snop  }
0x5: {  	_ = 	snop  }
0x6: {  	_ = 	snop  }
0x7: {  	_ = 	snop  }
__scs_overlays_trampoline_lowered:
0x8: {  	[smem:$0x3FA8] =	sst s0  }
0x9: {  	[smem:$0x3FA9] =	sst s1  }
0xa: {  	[smem:$0x3FAA] =	sst s2  }
0xb: {  	[smem:$0x3FAB] =	sst s3  }
0xc: {  	[smem:$0x3FAC] =	sst s4  }
0xd: {  	[smem:$0x3FAD] =	sst s5  }
0xe: {  	[smem:$0x3FAE] =	sst s6  }
0xf: {  	[smem:$0x3FAF] =	sst s7  }
0x10: {  	[smem:$0x3FB0] =	sst s8  }
0x11: {  	[smem:$0x3FB1] =	sst s9;
	s0 =	simm.s32 @!p0 $0x0  }
0x12: {  	s1 =	sld [smem:$0x3F97];
	s0 =	simm.s32 @p0 $0x1  }
0x13: {  	[smem:$0x3FB2] =	sst s0;
	s0 =	simm.s32 @!p1 $0x0  }
0x14: {  	s2 =	sld [smem:$0x3F96];
	s0 =	simm.s32 @p1 $0x1  }
0x15: {  	[smem:$0x3FB3] =	sst s0;
	s0 =	simm.s32 @!p2 $0x0  }
0x16: {  	s3 =	sld [smem:$0x3FDB];
	s0 =	simm.s32 @p2 $0x1  }
0x17: {  	s4 =	simm.s32 $0x1BF5;
	[smem:$0x3FB5] =	sst s0  }
0x18: {  	s0 =	sld [smem:$0x3F98];
	_ =	swait.ge [sflag:s4], $0x0  }
0x19: {  	s7 =	sld [smem:$0x3F99]  }
0x1a: {  	s8 =	sadd.s32 $0xFFFFE003, lr  }
0x1b: {  	s9 =	sadd.s32 $0xFFFFFEF7, lr;
	s5 =	simm.s32 $0xFFFFFFFF;
	p2 =	slt.u32 s8, $0xFFFFF086  }
0x1c: {  	p1 =	slt.u32 s9, $0xF7A;
	s5 =	simm.s32 @!p2 $0x0  }
0x1d: {  	s5 =	simm.s32 @p1 $0x1;
	p0 =	seq.s32 s7, s2  }
0x1e: {  	s7 =	smul.u32 @!p0 $0xF7A, s2;
	p2 =	seq.s32 @!p0 s5, $0x0  }
0x1f: {  	s9 =	smul.u32 $0xF7A, s1;
	s8 =	simm.s32 @!p0 $0x1BF5;
	p2 =	por !p2, p0  }
0x20: {  	[sflag:s8] =	ssyncset.s32 @!p0 $0xFFFFF086;
	s6 =	sadd.s32 @!p0 s3, s7;
	s7 =	simm.s32 @!p0 $0x108  }
0x21: {  	s3 =	sadd.s32 s3, s9;
	s6 =	sadd.s32 @!p0 $0x88, s6;
	s7 =	simm.s32 @p2 $0x1082  }
0x22: {  	[simem:s7], [sflag:s8] =	dma.local @!p0 [hbm:s6], $0xF7A  }
0x23: {  	s9 =	sor.u32 $0xD0000000, s2;
	s6 =	simm.s32 $0x108;
	_ =	swait.ge @!p0 [sflag:s8], $0x0  }
0x24: {  	s3 =	sadd.s32 $0x88, s3;
	s6 =	simm.s32 @!p1 $0x1082;
	[sflag:s4] =	ssyncset.s32 $0xFFFFF086  }
0x25: {  	[simem:s6], [sflag:s4] =	dma.local [hbm:s3], $0xF7A  }
0x26: {  	[smem:$0x3F99] =	sst s1;
	(tag) =	ssettag s2;
	_ =	strace s9  }
0x27: {  	s1 =	sld [smem:$0x3FA9]  }
0x28: {  	s2 =	sld [smem:$0x3FAA]  }
0x29: {  	s4 =	sld [smem:$0x3FAC]  }
0x2a: {  	p0 =	seq.s32 s5, $0x0;
	s5 =	sld [smem:$0x3FAD]  }
0x2b: {  	s6 =	sld [smem:$0x3FAE]  }
0x2c: {  	s7 =	sld [smem:$0x3FAF]  }
0x2d: {  	s3 =	simm.s32 $0x108;
	s8 =	sld [smem:$0x3FB0]  }
0x2e: {  	s3 =	simm.s32 @!p0 $0x1082;
	s9 =	sld [smem:$0x3FB1]  }
0x2f: {  	lr =	sadd.s32 s0, s3;
	s0 =	sld [smem:$0x3FA8]  }
0x30: {  	s3 =	sld [smem:$0x3FAB]  }
0x31: {  	[smem:$0x3FB4] =	sst s10  }
0x32: {  	s10 =	sld [smem:$0x3FB2];
	_ =	sdelay $0x3  }
0x33: {  	p0 =	seq.s32 s10, $0x1;
	s10 =	sld [smem:$0x3FB4];
	_ =	sdelay $0x3  }
0x34: {  	[smem:$0x3FB4] =	sst s10  }
0x35: {  	s10 =	sld [smem:$0x3FB3];
	_ =	sdelay $0x3  }
0x36: {  	p1 =	seq.s32 s10, $0x1;
	s10 =	sld [smem:$0x3FB4];
	_ =	sdelay $0x3  }
0x37: {  	[smem:$0x3FB4] =	sst s10  }
0x38: {  	s10 =	sld [smem:$0x3FB5]  }
0x39: {  	_ = 	snop;
	(pc) =	sbr.ind lr, $3  }
0x3a: {  	_ = 	snop  }
0x3b: {  	_ = 	snop  }
0x3c: {  	p2 =	seq.s32 s10, $0x1;
	s10 =	sld [smem:$0x3FB4]  }
0x3d: {  	_ =	shalt  }
0x3e: {  	_ =	shalt  }
0x3f: {  	_ =	shalt  }
0x40: {  	_ =	shalt  }
0x41: {  	_ =	shalt  }
0x42: {  	_ =	shalt  }
0x43: {  	_ =	shalt  }
0x44: {  	_ =	shalt  }
0x45: {  	_ =	shalt  }
0x46: {  	_ =	shalt  }
0x47: {  	_ =	shalt  }
0x48: {  	_ =	shalt  }
0x49: {  	_ =	shalt  }
0x4a: {  	_ =	shalt  }
0x4b: {  	_ =	shalt  }
0x4c: {  	_ =	shalt  }
0x4d: {  	_ =	shalt  }
0x4e: {  	_ =	shalt  }
0x4f: {  	_ =	shalt  }
0x50: {  	_ =	shalt  }
0x51: {  	_ =	shalt  }
0x52: {  	_ =	shalt  }
0x53: {  	_ =	shalt  }
0x54: {  	_ =	shalt  }
0x55: {  	_ =	shalt  }
0x56: {  	_ =	shalt  }
0x57: {  	_ =	shalt  }
0x58: {  	_ =	shalt  }
0x59: {  	_ =	shalt  }
0x5a: {  	_ =	shalt  }
0x5b: {  	_ =	shalt  }
0x5c: {  	_ =	shalt  }
0x5d: {  	_ =	shalt  }
0x5e: {  	_ =	shalt  }
0x5f: {  	_ =	shalt  }
0x60: {  	_ =	shalt  }
0x61: {  	_ =	shalt  }
0x62: {  	_ =	shalt  }
0x63: {  	_ =	shalt  }
0x64: {  	_ =	shalt  }
0x65: {  	_ =	shalt  }
0x66: {  	_ =	shalt  }
0x67: {  	_ =	shalt  }
0x68: {  	_ =	shalt  }
0x69: {  	_ =	shalt  }
0x6a: {  	_ =	shalt  }
0x6b: {  	_ =	shalt  }
0x6c: {  	_ =	shalt  }
0x6d: {  	_ =	shalt  }
0x6e: {  	_ =	shalt  }
0x6f: {  	_ =	shalt  }
0x70: {  	_ =	shalt  }
0x71: {  	_ =	shalt  }
0x72: {  	_ =	shalt  }
0x73: {  	_ =	shalt  }
0x74: {  	_ =	shalt  }
0x75: {  	_ =	shalt  }
0x76: {  	_ =	shalt  }
0x77: {  	_ =	shalt  }
0x78: {  	_ =	shalt  }
0x79: {  	_ =	shalt  }
0x7a: {  	_ =	shalt  }
0x7b: {  	_ =	shalt  }
0x7c: {  	_ =	shalt  }
0x7d: {  	_ =	shalt  }
0x7e: {  	_ =	shalt  }
0x7f: {  	_ =	shalt  }
0x80: {  	_ =	shalt  }
0x81: {  	_ =	shalt  }
0x82: {  	_ =	shalt  }
0x83: {  	_ =	shalt  }
0x84: {  	_ =	shalt  }
0x85: {  	_ =	shalt  }
0x86: {  	_ =	shalt  }
0x87: {  	_ =	shalt  }
.Lfunc_end0:
.L_simem_size_0:
called_computation.2_lowered:
.L_overlay_start_0:
0x88: {  	s2 =	sld [smem:$0x3FD9]  }
0x89: {  	s3 =	sld [smem:$0x3FFE];
	_ =	sdelay $0x1  }
0x8a: {  	s1 =	srdreg.scid  }
0x8b: {  	s0 =	sand.u32 $0x1, s1  }
0x8c: {  	s14 =	sshll.u32 s0, $0xA;
	s2 =	sadd.s32 s3, s2  }
0x8d: {  	s2 =	sadd.s32 s2, s14  }
0x8e: {  	[smem:$0x3FC0] =	sst s2  }
0x8f: {  	_ = 	snop  }
0x90: {  	s2 =	sld [smem:$0x3FD0];
	_ =	sdelay $0x2  }
0x91: {  	s15 =	simm.s32 $0xA;
	s4 =	simm.s32 $0x10  }
0x92: {  	[smem:s4], [sflag:s15] =	dma.local [hbm:s2], $0x1  }
0x93: {  	_ =	swait.eq [sflag:s15], $0x1  }
0x94: {  	[sflag:s15] =	ssyncset.done $0x0  }
0x95: {  	[sflag:s15] =	ssyncadd.s32 $0xFFFFFFFF  }
0x96: {  	s16 =	sld [smem:$0x10];
	(tm) =	ssettm $0x1  }
0x97: {  	s17 =	sld [smem:$0x3FFB];
	_ =	sdelay $0x3  }
0x98: {  	_ =	strace s17  }
0x99: {  	s3 =	sld [smem:$0x3FFC];
	_ =	sdelay $0x3  }
0x9a: {  	_ =	strace s3  }
0x9b: {  	s3 =	sld [smem:$0x3FFD];
	_ =	sdelay $0x3  }
0x9c: {  	_ =	strace s3  }
0x9d: {  	_ =	strace $0x8FFFFFFF  }
0x9e: {  	s18 =	sld [smem:$0x3FDB];
	_ =	sdelay $0x1  }
0x9f: {  	s19 =	simm.s32 $_scs_section_size  }
0xa0: {  	s5 =	simm.s32 $_size__tile_overlayer_lowered;
	s6 =	simm.s32 $_tile_overlayer_lowered  }
0xa1: {  	s22 =	simm.s32 $0x1BFF;
	s21 =	sshll.u32 s6, $0x1;
	s3 =	sadd.s32 s19, s18  }
0xa2: {  	s7 =	simm.s32 $0x0;
	s20 =	sshll.u32 s5, $0x1;
	s5 =	sadd.s32 s21, s3  }
0xa3: {  	[timem:s7], [sflag:s22] =	dma.local [hbm:s5], s20  }
0xa4: {  	_ =	swait.ge [sflag:s22], s20  }
0xa5: {  	s4 =	ssub.s32 $0x0, s20;
	[sflag:s22] =	ssyncset.done $0x0  }
0xa6: {  	[sflag:s22] =	ssyncadd.s32 s4;
	_ =	sdelay $0x1  }
0xa7: {  	s23 =	simm.s32 $0x1B8B  }
0xa8: {  	_ =	swait.ge [sflag:s23], $0x1  }
0xa9: {  	[sflag:s23] =	ssyncset.done $0x0  }
0xaa: {  	s25 =	simm.s32 $0x1B8E;
	s24 =	sld [smem:$0x3FFE];
	[sflag:s23] =	ssyncadd.s32 $0xFFFFFFFF  }
0xab: {  	s26 =	simm.s32 $execute0_lowered;
	[smem:$0x3FD2] =	sst s25  }
0xac: {  	s5 =	sshll.u32 s26, $0x1;
	_ =	strace $0x8000004C;
	[dreg:$0x1] =	wrdreg $0xFFFFFFFF  }
0xad: {  	s28 =	simm.s32 $_size_execute0_lowered;
	s3 =	sadd.s32 s3, s5;
	[dreg:$0x0] =	wrdreg $0x0  }
0xae: {  	s5 =	sshll.u32 s28, $0x1;
	[dreg:$0x2] =	wrdreg s3  }
0xaf: {  	[dreg:$0x3] =	wrdreg s5  }
0xb0: {  	[dreg:$0x4] =	wrdreg $0xC0  }
0xb1: {  	_ =	task [dreg:s7], $0x5FFFF  }
0xb2: {  	[dreg:$0x1] =	wrdreg $0xFFFFFFFF  }
0xb3: {  	[dreg:$0x0] =	wrdreg $0x60  }
0xb4: {  	[dreg:$0x2] =	wrdreg s16  }
0xb5: {  	[dreg:$0x3] =	wrdreg s24  }
0xb6: {  	[dreg:$0x4] =	wrdreg $0x7E200  }
0xb7: {  	[dreg:$0x5] =	wrdreg $0x9  }
0xb8: {  	_ =	task.clear_ibuf [dreg:s7], $0x6FFFF;
	_ =	strace $0x9000004C  }
0xb9: {  	s29 =	simm.s32 $0x9;
	_ =	strace $0x8000004E  }
0xba: {  	_ =	swait.ge [sflag:s29], $0x1  }
0xbb: {  	[sflag:s29] =	ssyncadd.s32 $0xFFFFFFFF  }
0xbc: {  	_ =	strace $0x9000004E  }
0xbd: {  	_ =	sfence  }
0xbe: {  	s30 =	sld [smem:$0x0];
	_ =	sdelay $0x2  }
0xbf: {  	s31 =	sshll.u32 s1, $0xD;
	s1 =	sshrl.u32 s1, $0x2  }
0xc0: {  	s3 =	sand.u32 $0x4000, s31;
	s1 =	sadd.s32 s1, s30  }
0xc1: {  	s0 =	sor.u32 s3, s0;
	s1 =	sshll.u32 s1, $0x11  }
0xc2: {  	s0 =	sor.u32 s1, s0  }
0xc3: {  	s0 =	sadd.s32 $0x8F2B, s0  }
0xc4: {  	[sflag:s0] =	ssyncadd.remote.s32 $0x1  }
0xc5: {  	_ =	sfence.sel $0xFFFF  }
0xc6: {  	[dreg:$0x0] =	wrdreg $0xFFFFFFFF;
	(pc) =	sbr.abs _section_cstart, $3  }
0xc7: {  	[dreg:$0x1] =	wrdreg $0xFFFFFFFF  }
0xc8: {  	_ =	task.clear_ibuf [dreg:s7], $0x2FFFF;
	_ =	strace $0x9FFFFFFF  }
0xc9: {  	(tm) =	ssettm $0x7FFFFFFF  }
tec
execute0_lowered:
.L_overlay_start_1:
0x0: {  	(tag) =	ssettag $0x1  }
0x1: {  	s1 =	rddreg [dreg:$0x0]  }
0x2: {  	s2 =	srdreg.scid;
	s5 =	rddreg [dreg:$0x1]  }
0x3: {  	s0 =	stileid.u32;
	s3 =	rddreg [dreg:$0x2]  }
0x4: {  	s4 =	simm.s32 $0x0;
	s14 =	simm.s32 $0x3;
	s15 =	simm.s32 $0x2710  }
0x5: {  	s16 =	simm.s32 $0x6E20;
	s17 =	simm.s32 $0x80;
	s18 =	simm.s32 $0x4E20  }
0x6: {  	s19 =	simm.s32 $0x5E20;
	s20 =	simm.s32 $0x1;
	s21 =	simm.s32 $0x2  }
0x7: {  	s22 =	simm.s32 $0x4D10;
	s23 =	simm.s32 $0x4D90;
	s24 =	simm.s32 $0x10  }
0x8: {  	s25 =	simm.s32 $0x2700;
	s26 =	simm.s32 $0x4E10;
	s28 =	simm.s32 $0x4  }
0x9: {  	s29 =	simm.s32 $0x0;
	s6 =	sand.u32 $0x1, s2;
	s31 =	sshll.u32 s0, $0x1  }
0xa: {  	[smem:$0x7FF] =	sst s4;
	s8 =	smul.u32 $0x14000, s0;
	s7 =	sor.u32 s6, s31  }
0xb: {  	s9 =	sshll.u32 s6, $0x5;
	s6 =	ssub.s32 $0x2, s6;
	s7 =	smul.u32 $0x2710, s7  }
0xc: {  	_ =	strace $0x8000004D;
	s9 =	sor.u32 s9, s8;
	s10 =	sshrl.u32 s6, $0x1  }
0xd: {  	s8 =	sshrl.u32 s8, $0x2;
	s9 =	sshrl.u32 s9, $0x3;
	s7 =	sshrl.u32 s7, $0x3  }
0xe: {  	s13 =	ssub.s32 s6, s10;
	s12 =	sadd.s32 s9, s5;
	s7 =	sadd.s32 s7, s5  }
0xf: {  	s5 =	sadd.s32 $0x3400, s7;
	s6 =	sadd.s32 $0xD040, s7;
	s7 =	sadd.s32 s8, s3  }
0x10: {  	s13 =	smax.u32 s13, $0x1;
	s12 =	sadd.s32 $0x3E000, s12;
	s8 =	sadd.s32 $0x1000, s7  }
0x11: {  	v0 =	vimm.f32 $0.0e+00;
	s9 =	sadd.s32 $0x2000, s7;
	s10 =	sadd.s32 $0x3000, s7;
	s11 =	sadd.s32 $0x4000, s7  }
.LBB2_1:
0x12: {  	[tilespmem:s4], [sflag:$0x3] =	stream.linear.gather [hbm4b:s5+s4], $0x2710, $0x38;
	[tilespmem:$0xCE20] =	vst v63  }
0x13: {  	_ =	swait.ge [sflag:s14], $0x2710  }
0x14: {  	[sflag:s14] =	ssyncset.done $0x0  }
0x15: {  	[sflag:s14] =	ssyncadd.s32 $0xFFFFD8F0  }
0x16: {  	[tilespmem:s15], [sflag:$0x3] =	stream.linear.gather [hbm4b:s6+s4], $0x2710, $0x38;
	[tilespmem:$0xCE20] =	vst v63  }
0x17: {  	_ =	swait.ge [sflag:s14], $0x2710  }
0x18: {  	[sflag:s14] =	ssyncset.done $0x0  }
0x19: {  	s30 =	simm.s32 $0x80;
	s31 =	simm.s32 $0x0;
	[sflag:s14] =	ssyncadd.s32 $0xFFFFD8F0  }
.LBB2_2:
0x1a: {  	p0 =	sne.s32 s30, $0x3F80;
	[tilespmem:s31+$0x6E20] =	vst v0;
	s2 =	smov.u32 s30;
	s30 =	sadd.s32 $0x80, s30  }
.Ltmp0:
0x1b: {  	[tilespmem:s31+$0x6E30] =	vst v0;
	(pc) =	sbr.rel @p0 .LBB2_2-.Ltmp0, $2  }
0x1c: {  	_ =	sdelay $0x2  }
0x1d: {  	s31 =	sshra.s32 s2, $0x2  }
0x1e: {  	[tilespmem:s31+$0x6E20] =	vst v0  }
0x1f: {  	[tilespmem:s31+$0x6E30] =	vst v0  }
0x20: {  	[spmem:s7] =	stream.linear.scatter [tilespmem:s16], [sflag:$0x3], $0x1000, $0x38;
	[tilespmem:$0xCE20] =	vst v63  }
0x21: {  	_ =	swait.ge [sflag:s14], $0x1000  }
0x22: {  	[sflag:s14] =	ssyncset.done $0x0  }
0x23: {  	[sflag:s14] =	ssyncadd.s32 $0xFFFFF000  }
0x24: {  	[spmem:s8] =	stream.linear.scatter [tilespmem:s16], [sflag:$0x3], $0x1000, $0x38;
	[tilespmem:$0xCE20] =	vst v63  }
0x25: {  	_ =	swait.ge [sflag:s14], $0x1000  }
0x26: {  	[sflag:s14] =	ssyncset.done $0x0  }
0x27: {  	[sflag:s14] =	ssyncadd.s32 $0xFFFFF000  }
0x28: {  	[spmem:s9] =	stream.linear.scatter [tilespmem:s16], [sflag:$0x3], $0x1000, $0x38;
	[tilespmem:$0xCE20] =	vst v63  }
0x29: {  	_ =	swait.ge [sflag:s14], $0x1000  }
0x2a: {  	[sflag:s14] =	ssyncset.done $0x0  }
0x2b: {  	[sflag:s14] =	ssyncadd.s32 $0xFFFFF000  }
0x2c: {  	[spmem:s10] =	stream.linear.scatter [tilespmem:s16], [sflag:$0x3], $0x1000, $0x38;
	[tilespmem:$0xCE20] =	vst v63  }
0x2d: {  	_ =	swait.ge [sflag:s14], $0x1000  }
0x2e: {  	[sflag:s14] =	ssyncset.done $0x0  }
0x2f: {  	[sflag:s14] =	ssyncadd.s32 $0xFFFFF000  }
0x30: {  	[spmem:s11] =	stream.linear.scatter [tilespmem:s16], [sflag:$0x3], $0x1000, $0x38;
	[tilespmem:$0xCE20] =	vst v63  }
0x31: {  	_ =	swait.ge [sflag:s14], $0x1000  }
0x32: {  	[sflag:s14] =	ssyncset.done $0x0  }
0x33: {  	[sflag:s14] =	ssyncadd.s32 $0xFFFFF000  }
0x34: {  	s2 =	simm.s32 $0x0;
	[bflag:$0x0] =	sbarrier.arrive $0xFFFF  }
0x35: {  	[tilespmem:s18], [sflag:$0x1] =	stream.indirect.gather [hbm4b:s1+s17], $0x20, s2, s17, $0xb8;
	[tilespmem:$0xCE20] =	vst v63  }
0x36: {  	_ = 	snop  }
0x37: {  	[tilespmem:s19], [sflag:$0x2] =	stream.indirect.gather [hbm4b:s1+s17], $0x20, s17, s17, $0xb8;
	[tilespmem:$0xCE20] =	vst v63  }
0x38: {  	_ =	swait.ge [sflag:s20], $0x1000  }
0x39: {  	[sflag:s20] =	ssyncset.done $0x0  }
0x3a: {  	s2 =	simm.s32 $0x2710;
	[sflag:s20] =	ssyncadd.s32 $0xFFFFF000  }
0x3b: {  	[spmem:s3] =	stream.indirect.scatter.add.f32 [tilespmem:s18], [sflag:$0x3], $0x20, s2, s17, $0xb8;
	[tilespmem:$0xCE20] =	vst v63  }
0x3c: {  	_ =	swait.ge [sflag:s14], $0x1000  }
0x3d: {  	[sflag:s14] =	ssyncset.done $0x0  }
0x3e: {  	s2 =	simm.s32 $0x100;
	[sflag:s14] =	ssyncadd.s32 $0xFFFFF000  }
0x3f: {  	[tilespmem:s18], [sflag:$0x1] =	stream.indirect.gather [hbm4b:s1+s17], $0x20, s2, s17, $0xb8;
	[tilespmem:$0xCE20] =	vst v63  }
0x40: {  	_ =	swait.ge [sflag:s21], $0x1000  }
0x41: {  	[sflag:s21] =	ssyncset.done $0x0  }
0x42: {  	s2 =	simm.s32 $0x2790;
	[sflag:s21] =	ssyncadd.s32 $0xFFFFF000  }
0x43: {  	[spmem:s3] =	stream.indirect.scatter.add.f32 [tilespmem:s19], [sflag:$0x3], $0x20, s2, s17, $0xb8;
	[tilespmem:$0xCE20] =	vst v63  }
0x44: {  	_ =	swait.ge [sflag:s14], $0x1000  }
0x45: {  	[sflag:s14] =	ssyncset.done $0x0  }
0x46: {  	s30 =	simm.s32 $0x400;
	s31 =	simm.s32 $0x180;
	[sflag:s14] =	ssyncadd.s32 $0xFFFFF000  }
.LBB2_4:
0x47: {  	[tilespmem:s19], [sflag:$0x2] =	stream.indirect.gather [hbm4b:s1+s17], $0x20, s31, s17, $0xb8;
	[tilespmem:$0xCE20] =	vst v63  }
0x48: {  	s2 =	smov.u32 s30  }
0x49: {  	p0 =	sne.s32 s30, $0x9400;
	s30 =	sadd.s32 $0x400, s30;
	_ =	swait.ge [sflag:s20], $0x1000  }
0x4a: {  	s2 =	sshra.s32 s2, $0x2;
	[sflag:s20] =	ssyncset.done $0x0  }
0x4b: {  	s31 =	sadd.s32 $0x2710, s2;
	[sflag:s20] =	ssyncadd.s32 $0xFFFFF000  }
0x4c: {  	[spmem:s3] =	stream.indirect.scatter.add.f32 [tilespmem:s18], [sflag:$0x3], $0x20, s31, s17, $0xb8;
	[tilespmem:$0xCE20] =	vst v63  }
0x4d: {  	_ =	swait.ge [sflag:s14], $0x1000  }
0x4e: {  	[sflag:s14] =	ssyncset.done $0x0  }
0x4f: {  	s31 =	sadd.s32 $0x100, s2;
	[sflag:s14] =	ssyncadd.s32 $0xFFFFF000  }
0x50: {  	[tilespmem:s18], [sflag:$0x1] =	stream.indirect.gather [hbm4b:s1+s17], $0x20, s31, s17, $0xb8;
	[tilespmem:$0xCE20] =	vst v63  }
0x51: {  	_ =	swait.ge [sflag:s21], $0x1000  }
0x52: {  	[sflag:s21] =	ssyncset.done $0x0  }
.Ltmp1:
0x53: {  	s31 =	sadd.s32 $0x2790, s2;
	[sflag:s21] =	ssyncadd.s32 $0xFFFFF000;
	(pc) =	sbr.rel @p0 .LBB2_4-.Ltmp1, $4  }
0x54: {  	[spmem:s3] =	stream.indirect.scatter.add.f32 [tilespmem:s19], [sflag:$0x3], $0x20, s31, s17, $0xb8;
	[tilespmem:$0xCE20] =	vst v63  }
0x55: {  	_ =	swait.ge [sflag:s14], $0x1000  }
0x56: {  	[sflag:s14] =	ssyncset.done $0x0  }
0x57: {  	s31 =	sadd.s32 $0x180, s2;
	[sflag:s14] =	ssyncadd.s32 $0xFFFFF000  }
0x58: {  	[tilespmem:s19], [sflag:$0x2] =	stream.indirect.gather [hbm4b:s1+s17], $0x20, s31, s17, $0xb8;
	[tilespmem:$0xCE20] =	vst v63  }
0x59: {  	_ =	swait.ge [sflag:s20], $0x1000  }
0x5a: {  	[sflag:s20] =	ssyncset.done $0x0  }
0x5b: {  	[sflag:s20] =	ssyncadd.s32 $0xFFFFF000  }
0x5c: {  	[spmem:s3] =	stream.indirect.scatter.add.f32 [tilespmem:s18], [sflag:$0x3], $0x20, s22, s17, $0xb8;
	[tilespmem:$0xCE20] =	vst v63  }
0x5d: {  	_ =	swait.ge [sflag:s14], $0x1000  }
0x5e: {  	[sflag:s14] =	ssyncset.done $0x0  }
0x5f: {  	[sflag:s14] =	ssyncadd.s32 $0xFFFFF000  }
0x60: {  	_ =	swait.ge [sflag:s21], $0x1000  }
0x61: {  	[sflag:s21] =	ssyncset.done $0x0  }
0x62: {  	[sflag:s21] =	ssyncadd.s32 $0xFFFFF000  }
0x63: {  	[spmem:s3] =	stream.indirect.scatter.add.f32 [tilespmem:s19], [sflag:$0x3], $0x20, s23, s17, $0xb8;
	[tilespmem:$0xCE20] =	vst v63  }
0x64: {  	_ =	swait.ge [sflag:s14], $0x1000  }
0x65: {  	[sflag:s14] =	ssyncset.done $0x0  }
0x66: {  	[sflag:s14] =	ssyncadd.s32 $0xFFFFF000  }
0x67: {  	[tilespmem:s19], [sflag:$0x1] =	stream.indirect.gather [hbm4b:s1+s24], $0x20, s25, s24, $0xb8;
	[tilespmem:$0xCE20] =	vst v63  }
0x68: {  	_ =	swait.ge [sflag:s20], $0x200  }
0x69: {  	[sflag:s20] =	ssyncset.done $0x0  }
0x6a: {  	[sflag:s20] =	ssyncadd.s32 $0xFFFFFE00  }
0x6b: {  	[spmem:s3] =	stream.indirect.scatter.add.f32 [tilespmem:s19], [sflag:$0x3], $0x20, s26, s24, $0xb8;
	[tilespmem:$0xCE20] =	vst v63  }
0x6c: {  	_ =	swait.ge [sflag:s14], $0x200  }
0x6d: {  	s2 =	sshll.u32 s0, $0x6;
	s29 =	sadd.s32 $0x1, s29;
	[sflag:s14] =	ssyncset.done $0x0  }
0x6e: {  	s30 =	sshrl.u32 s7, $0x3;
	p0 =	sne.s32 s29, s13;
	[sflag:s14] =	ssyncadd.s32 $0xFFFFFE00  }
.Ltmp2:
0x6f: {  	s2 =	sor.u32 $0x1C03, s2;
	[bflag:$0x0] =	sbarrier.arrive $0xFFFF;
	(pc) =	sbr.rel @p0 .LBB2_1-.Ltmp2, $4  }
0x70: {  	[hbm:s12@s24], [sflag:s2] =	dma.strided [spmem:s30@s28], $0xA00, s20, $0x4   }
0x71: {  	_ =	swait.ge [sflag:s14], $0xA00  }
0x72: {  	[sflag:s14] =	ssyncset.done $0x0  }
0x73: {  	[sflag:s14] =	ssyncadd.s32 $0xFFFFF600  }
0x74: {  	_ =	sfence.sel $0x180000  }
0x75: {  	[bflag:$0x0] =	sbarrier.arrive $0xFFFF  }
0x76: {  	_ =	strace $0x9000004D  }
0x77: {  	[bflag:$0x2] =	sbarrier.arrive $0xFFFF  }
0x78: {  	p0 =	sne.s32 s0, $0x0;
	s0 =	rddreg [dreg:$0x3]  }
0x79: {  	s0 =	sadd.s32 @!p0 $0x100000, s0  }
0x7a: {  	[sflag:s0] =	ssyncadd.tile.s32 @!p0 $0x1;
	_ =	shalt  }
.Lfunc_end2:
_tile_overlayer_lowered:
.L_overlay_start_2:
0x7b: {  	(tag) =	ssettag $0x2  }
0x7c: {  	s0 =	rddreg [dreg:$0x0];
	s2 =	stileid.u32  }
0x7d: {  	s1 =	rddreg [dreg:$0x1];
	p0 =	sne.s32 s2, $0x0  }
0x7e: {  	s3 =	rddreg [dreg:$0x2];
	[bflag:$0x3] =	sbarrier.arrive $0xFFFF;
	s2 =	simm.s32 @!p0 $0x1C03  }
0x7f: {  	[timem:s3], [sflag:s2] =	dma.local @!p0 [hbm:s0], s1  }
0x80: {  	s0 =	simm.s32 @!p0 $0x3  }
0x81: {  	_ =	swait.ge @!p0 [sflag:s0], s1  }
0x82: {  	s1 =	ssub.s32 @!p0 $0x0, s1;
	[sflag:s0] =	ssyncset.done @!p0 $0x0  }
0x83: {  	[sflag:s0] =	ssyncadd.s32 @!p0 s1  }
0x84: {  	[bflag:$0x3] =	sbarrier.arrive $0xFFFF  }
0x85: {  	_ =	shalt  }

// kernel: kernel.8.cloned.1.call-start
scs
__scs_entry_jumppad:
0x0: {  	(pc) =	sbr.rel $0x88, $3  }
0x1: {  	(tag) =	ssettag $0x0;
	lr =	simm.s32 $0x1  }
0x2: {  	[smem:$0x3F99] =	sst lr;
	_ =	strace $0xD0000000  }
0x3: {  	_ = 	snop  }
0x4: {  	_ = 	snop  }
0x5: {  	_ = 	snop  }
0x6: {  	_ = 	snop  }
0x7: {  	_ = 	snop  }
__scs_overlays_trampoline_lowered:
0x8: {  	[smem:$0x3FA8] =	sst s0  }
0x9: {  	[smem:$0x3FA9] =	sst s1  }
0xa: {  	[smem:$0x3FAA] =	sst s2  }
0xb: {  	[smem:$0x3FAB] =	sst s3  }
0xc: {  	[smem:$0x3FAC] =	sst s4  }
0xd: {  	[smem:$0x3FAD] =	sst s5  }
0xe: {  	[smem:$0x3FAE] =	sst s6  }
0xf: {  	[smem:$0x3FAF] =	sst s7  }
0x10: {  	[smem:$0x3FB0] =	sst s8  }
0x11: {  	[smem:$0x3FB1] =	sst s9;
	s0 =	simm.s32 @!p0 $0x0  }
0x12: {  	s1 =	sld [smem:$0x3F97];
	s0 =	simm.s32 @p0 $0x1  }
0x13: {  	[smem:$0x3FB2] =	sst s0;
	s0 =	simm.s32 @!p1 $0x0  }
0x14: {  	s2 =	sld [smem:$0x3F96];
	s0 =	simm.s32 @p1 $0x1  }
0x15: {  	[smem:$0x3FB3] =	sst s0;
	s0 =	simm.s32 @!p2 $0x0  }
0x16: {  	s3 =	sld [smem:$0x3FDB];
	s0 =	simm.s32 @p2 $0x1  }
0x17: {  	s4 =	simm.s32 $0x1BF5;
	[smem:$0x3FB5] =	sst s0  }
0x18: {  	s0 =	sld [smem:$0x3F98];
	_ =	swait.ge [sflag:s4], $0x0  }
0x19: {  	s7 =	sld [smem:$0x3F99]  }
0x1a: {  	s8 =	sadd.s32 $0xFFFFE003, lr  }
0x1b: {  	s9 =	sadd.s32 $0xFFFFFEF7, lr;
	s5 =	simm.s32 $0xFFFFFFFF;
	p2 =	slt.u32 s8, $0xFFFFF086  }
0x1c: {  	p1 =	slt.u32 s9, $0xF7A;
	s5 =	simm.s32 @!p2 $0x0  }
0x1d: {  	s5 =	simm.s32 @p1 $0x1;
	p0 =	seq.s32 s7, s2  }
0x1e: {  	s7 =	smul.u32 @!p0 $0xF7A, s2;
	p2 =	seq.s32 @!p0 s5, $0x0  }
0x1f: {  	s9 =	smul.u32 $0xF7A, s1;
	s8 =	simm.s32 @!p0 $0x1BF5;
	p2 =	por !p2, p0  }
0x20: {  	[sflag:s8] =	ssyncset.s32 @!p0 $0xFFFFF086;
	s6 =	sadd.s32 @!p0 s3, s7;
	s7 =	simm.s32 @!p0 $0x108  }
0x21: {  	s3 =	sadd.s32 s3, s9;
	s6 =	sadd.s32 @!p0 $0x88, s6;
	s7 =	simm.s32 @p2 $0x1082  }
0x22: {  	[simem:s7], [sflag:s8] =	dma.local @!p0 [hbm:s6], $0xF7A  }
0x23: {  	s9 =	sor.u32 $0xD0000000, s2;
	s6 =	simm.s32 $0x108;
	_ =	swait.ge @!p0 [sflag:s8], $0x0  }
0x24: {  	s3 =	sadd.s32 $0x88, s3;
	s6 =	simm.s32 @!p1 $0x1082;
	[sflag:s4] =	ssyncset.s32 $0xFFFFF086  }
0x25: {  	[simem:s6], [sflag:s4] =	dma.local [hbm:s3], $0xF7A  }
0x26: {  	[smem:$0x3F99] =	sst s1;
	(tag) =	ssettag s2;
	_ =	strace s9  }
0x27: {  	s1 =	sld [smem:$0x3FA9]  }
0x28: {  	s2 =	sld [smem:$0x3FAA]  }
0x29: {  	s4 =	sld [smem:$0x3FAC]  }
0x2a: {  	p0 =	seq.s32 s5, $0x0;
	s5 =	sld [smem:$0x3FAD]  }
0x2b: {  	s6 =	sld [smem:$0x3FAE]  }
0x2c: {  	s7 =	sld [smem:$0x3FAF]  }
0x2d: {  	s3 =	simm.s32 $0x108;
	s8 =	sld [smem:$0x3FB0]  }
0x2e: {  	s3 =	simm.s32 @!p0 $0x1082;
	s9 =	sld [smem:$0x3FB1]  }
0x2f: {  	lr =	sadd.s32 s0, s3;
	s0 =	sld [smem:$0x3FA8]  }
0x30: {  	s3 =	sld [smem:$0x3FAB]  }
0x31: {  	[smem:$0x3FB4] =	sst s10  }
0x32: {  	s10 =	sld [smem:$0x3FB2];
	_ =	sdelay $0x3  }
0x33: {  	p0 =	seq.s32 s10, $0x1;
	s10 =	sld [smem:$0x3FB4];
	_ =	sdelay $0x3  }
0x34: {  	[smem:$0x3FB4] =	sst s10  }
0x35: {  	s10 =	sld [smem:$0x3FB3];
	_ =	sdelay $0x3  }
0x36: {  	p1 =	seq.s32 s10, $0x1;
	s10 =	sld [smem:$0x3FB4];
	_ =	sdelay $0x3  }
0x37: {  	[smem:$0x3FB4] =	sst s10  }
0x38: {  	s10 =	sld [smem:$0x3FB5]  }
0x39: {  	_ = 	snop;
	(pc) =	sbr.ind lr, $3  }
0x3a: {  	_ = 	snop  }
0x3b: {  	_ = 	snop  }
0x3c: {  	p2 =	seq.s32 s10, $0x1;
	s10 =	sld [smem:$0x3FB4]  }
0x3d: {  	_ =	shalt  }
0x3e: {  	_ =	shalt  }
0x3f: {  	_ =	shalt  }
0x40: {  	_ =	shalt  }
0x41: {  	_ =	shalt  }
0x42: {  	_ =	shalt  }
0x43: {  	_ =	shalt  }
0x44: {  	_ =	shalt  }
0x45: {  	_ =	shalt  }
0x46: {  	_ =	shalt  }
0x47: {  	_ =	shalt  }
0x48: {  	_ =	shalt  }
0x49: {  	_ =	shalt  }
0x4a: {  	_ =	shalt  }
0x4b: {  	_ =	shalt  }
0x4c: {  	_ =	shalt  }
0x4d: {  	_ =	shalt  }
0x4e: {  	_ =	shalt  }
0x4f: {  	_ =	shalt  }
0x50: {  	_ =	shalt  }
0x51: {  	_ =	shalt  }
0x52: {  	_ =	shalt  }
0x53: {  	_ =	shalt  }
0x54: {  	_ =	shalt  }
0x55: {  	_ =	shalt  }
0x56: {  	_ =	shalt  }
0x57: {  	_ =	shalt  }
0x58: {  	_ =	shalt  }
0x59: {  	_ =	shalt  }
0x5a: {  	_ =	shalt  }
0x5b: {  	_ =	shalt  }
0x5c: {  	_ =	shalt  }
0x5d: {  	_ =	shalt  }
0x5e: {  	_ =	shalt  }
0x5f: {  	_ =	shalt  }
0x60: {  	_ =	shalt  }
0x61: {  	_ =	shalt  }
0x62: {  	_ =	shalt  }
0x63: {  	_ =	shalt  }
0x64: {  	_ =	shalt  }
0x65: {  	_ =	shalt  }
0x66: {  	_ =	shalt  }
0x67: {  	_ =	shalt  }
0x68: {  	_ =	shalt  }
0x69: {  	_ =	shalt  }
0x6a: {  	_ =	shalt  }
0x6b: {  	_ =	shalt  }
0x6c: {  	_ =	shalt  }
0x6d: {  	_ =	shalt  }
0x6e: {  	_ =	shalt  }
0x6f: {  	_ =	shalt  }
0x70: {  	_ =	shalt  }
0x71: {  	_ =	shalt  }
0x72: {  	_ =	shalt  }
0x73: {  	_ =	shalt  }
0x74: {  	_ =	shalt  }
0x75: {  	_ =	shalt  }
0x76: {  	_ =	shalt  }
0x77: {  	_ =	shalt  }
0x78: {  	_ =	shalt  }
0x79: {  	_ =	shalt  }
0x7a: {  	_ =	shalt  }
0x7b: {  	_ =	shalt  }
0x7c: {  	_ =	shalt  }
0x7d: {  	_ =	shalt  }
0x7e: {  	_ =	shalt  }
0x7f: {  	_ =	shalt  }
0x80: {  	_ =	shalt  }
0x81: {  	_ =	shalt  }
0x82: {  	_ =	shalt  }
0x83: {  	_ =	shalt  }
0x84: {  	_ =	shalt  }
0x85: {  	_ =	shalt  }
0x86: {  	_ =	shalt  }
0x87: {  	_ =	shalt  }
.Lfunc_end0:
.L_simem_size_0:
called_computation_lowered:
.L_overlay_start_0:
0x88: {  	s2 =	sld [smem:$0x3FD9]  }
0x89: {  	s3 =	sld [smem:$0x3FFE];
	_ =	sdelay $0x1  }
0x8a: {  	s1 =	srdreg.scid  }
0x8b: {  	s0 =	sand.u32 $0x1, s1  }
0x8c: {  	s16 =	sshll.u32 s0, $0xA;
	s2 =	sadd.s32 s3, s2  }
0x8d: {  	s2 =	sadd.s32 s2, s16  }
0x8e: {  	[smem:$0x3FC0] =	sst s2  }
0x8f: {  	_ = 	snop  }
0x90: {  	(tm) =	ssettm $0x1  }
0x91: {  	s17 =	sld [smem:$0x3FFB];
	_ =	sdelay $0x3  }
0x92: {  	_ =	strace s17  }
0x93: {  	s2 =	sld [smem:$0x3FFC];
	_ =	sdelay $0x3  }
0x94: {  	_ =	strace s2  }
0x95: {  	s2 =	sld [smem:$0x3FFD];
	_ =	sdelay $0x3  }
0x96: {  	_ =	strace s2  }
0x97: {  	_ =	strace $0x8FFFFFFF  }
0x98: {  	s18 =	sld [smem:$0x3FDB];
	_ =	sdelay $0x1  }
0x99: {  	s19 =	simm.s32 $_scs_section_size  }
0x9a: {  	s4 =	simm.s32 $_size__tile_overlayer_lowered;
	s5 =	simm.s32 $_tile_overlayer_lowered  }
0x9b: {  	s22 =	simm.s32 $0x1BFF;
	s21 =	sshll.u32 s5, $0x1;
	s2 =	sadd.s32 s19, s18  }
0x9c: {  	s6 =	simm.s32 $0x0;
	s20 =	sshll.u32 s4, $0x1;
	s4 =	sadd.s32 s21, s2  }
0x9d: {  	[timem:s6], [sflag:s22] =	dma.local [hbm:s4], s20  }
0x9e: {  	_ =	swait.ge [sflag:s22], s20  }
0x9f: {  	s3 =	ssub.s32 $0x0, s20;
	[sflag:s22] =	ssyncset.done $0x0  }
0xa0: {  	[sflag:s22] =	ssyncadd.s32 s3;
	_ =	sdelay $0x1  }
0xa1: {  	s23 =	simm.s32 $0x1B8B  }
0xa2: {  	_ =	swait.ge [sflag:s23], $0x1  }
0xa3: {  	[sflag:s23] =	ssyncset.done $0x0  }
0xa4: {  	s25 =	simm.s32 $0x1B8E;
	s24 =	sld [smem:$0x3FFE];
	[sflag:s23] =	ssyncadd.s32 $0xFFFFFFFF  }
0xa5: {  	s26 =	simm.s32 $execute0_lowered;
	[smem:$0x3FD2] =	sst s25  }
0xa6: {  	s4 =	sshll.u32 s26, $0x1;
	_ =	strace $0x80000046;
	[dreg:$0x1] =	wrdreg $0xFFFFFFFF  }
0xa7: {  	s28 =	simm.s32 $_size_execute0_lowered;
	s2 =	sadd.s32 s2, s4;
	[dreg:$0x0] =	wrdreg $0x0  }
0xa8: {  	s4 =	sshll.u32 s28, $0x1;
	[dreg:$0x2] =	wrdreg s2  }
0xa9: {  	[dreg:$0x3] =	wrdreg s4  }
0xaa: {  	[dreg:$0x4] =	wrdreg $0xC0  }
0xab: {  	_ =	task [dreg:s6], $0x5FFFF  }
0xac: {  	[dreg:$0x1] =	wrdreg $0xFFFFFFFF  }
0xad: {  	[dreg:$0x0] =	wrdreg $0x60  }
0xae: {  	[dreg:$0x2] =	wrdreg s24  }
0xaf: {  	[dreg:$0x3] =	wrdreg $0x37100  }
0xb0: {  	[dreg:$0x4] =	wrdreg $0x9  }
0xb1: {  	_ =	task.clear_ibuf [dreg:s6], $0x5FFFF;
	_ =	strace $0x90000046  }
0xb2: {  	s29 =	simm.s32 $0x9;
	_ =	strace $0x80000048  }
0xb3: {  	_ =	swait.ge [sflag:s29], $0x1  }
0xb4: {  	[sflag:s29] =	ssyncadd.s32 $0xFFFFFFFF  }
0xb5: {  	_ =	strace $0x90000048  }
0xb6: {  	_ =	sfence  }
0xb7: {  	s30 =	sld [smem:$0x0];
	_ =	sdelay $0x2  }
0xb8: {  	s31 =	sshll.u32 s1, $0xD;
	s1 =	sshrl.u32 s1, $0x2  }
0xb9: {  	s3 =	sand.u32 $0x4000, s31;
	s1 =	sadd.s32 s1, s30  }
0xba: {  	s0 =	sor.u32 s3, s0;
	s1 =	sshll.u32 s1, $0x11  }
0xbb: {  	s0 =	sor.u32 s1, s0  }
0xbc: {  	s0 =	sadd.s32 $0x8F2B, s0  }
0xbd: {  	[sflag:s0] =	ssyncadd.remote.s32 $0x1  }
0xbe: {  	_ =	sfence.sel $0xFFFF  }
0xbf: {  	[dreg:$0x0] =	wrdreg $0xFFFFFFFF;
	(pc) =	sbr.abs _section_cstart, $3  }
0xc0: {  	[dreg:$0x1] =	wrdreg $0xFFFFFFFF  }
0xc1: {  	_ =	task.clear_ibuf [dreg:s6], $0x2FFFF;
	_ =	strace $0x9FFFFFFF  }
0xc2: {  	(tm) =	ssettm $0x7FFFFFFF  }
0xc3: {  	_ =	shalt  }
tec
execute0_lowered:
.L_overlay_start_1:
0x0: {  	(tag) =	ssettag $0x1  }
0x1: {  	s4 =	rddreg [dreg:$0x0]  }
0x2: {  	s2 =	rddreg [dreg:$0x1]  }
0x3: {  	s1 =	srdreg.scid;
	s0 =	stileid.u32  }
0x4: {  	s12 =	simm.s32 $0x1;
	s13 =	simm.s32 $0x2F10;
	s14 =	simm.s32 $0x80  }
0x5: {  	s15 =	simm.s32 $0x2710;
	s16 =	simm.s32 $0x10;
	s17 =	simm.s32 $0x2700  }
0x6: {  	s20 =	simm.s32 $0x2;
	s21 =	simm.s32 $0x0;
	s5 =	sand.u32 $0x1, s1  }
0x7: {  	s6 =	smul.u32 $0x14000, s0;
	s3 =	sshll.u32 s0, $0x1;
	s1 =	rddreg [dreg:$0x2]  }
0x8: {  	s29 =	smul.u32 $0xA000, s0;
	s18 =	sshll.u32 s0, $0x6;
	s7 =	sshll.u32 s5, $0x4  }
0x9: {  	s8 =	sor.u32 s5, s3;
	s3 =	simm.s32 $0x0;
	s5 =	ssub.s32 $0x2, s5  }
0xa: {  	s18 =	sor.u32 $0x1C01, s18;
	s6 =	sor.u32 s7, s6;
	s28 =	smul.u32 $0x2710, s8  }
0xb: {  	[smem:$0x7FF] =	sst s3;
	s30 =	sshrl.u32 s5, $0x1;
	s8 =	sshrl.u32 s29, $0x2  }
0xc: {  	s6 =	sshrl.u32 s6, $0x3;
	_ =	strace $0x80000047;
	s11 =	ssub.s32 s5, s30  }
0xd: {  	s10 =	sadd.s32 s6, s4;
	s7 =	sshrl.u32 s28, $0x3;
	s11 =	smax.u32 s11, $0x1  }
0xe: {  	s31 =	sadd.s32 s4, s7;
	s4 =	sadd.s32 s8, s2;
	s10 =	sadd.s32 $0x16E00, s10  }
0xf: {  	s5 =	sadd.s32 $0xD040, s31;
	s6 =	sadd.s32 $0x800, s4;
	s7 =	sadd.s32 $0x1000, s4  }
0x10: {  	v0 =	vimm.f32 $1.000000000e+00;
	v1 =	vimm.f32 $0.0e+00;
	s8 =	sadd.s32 $0x1800, s4;
	s9 =	sadd.s32 $0x2000, s4;
	s19 =	sshrl.u32 s4, $0x3  }
.LBB2_1:
0x11: {  	[tilespmem:s3], [sflag:$0x1] =	stream.linear.gather [hbm4b:s5+s3], $0x2710, $0x38;
	[tilespmem:$0x5F10] =	vst v63  }
0x12: {  	_ =	swait.ge [sflag:s12], $0x2710  }
0x13: {  	[sflag:s12] =	ssyncset.done $0x0  }
0x14: {  	s22 =	simm.s32 $0x0;
	[sflag:s12] =	ssyncadd.s32 $0xFFFFD8F0  }
.LBB2_2:
0x15: {  	p0 =	sne.s32 s22, $0x1FC0  }
.Ltmp0:
0x16: {  	_ = 	snop;
	(pc) =	sbr.rel @p0 .LBB2_2-.Ltmp0, $3  }
0x17: {  	_ =	sdelay $0x1  }
0x18: {  	s23 =	sshra.s32 s22, $0x2  }
0x19: {  	s22 =	sadd.s32 $0x40, s22;
	[tilespmem:s23+$0x2710] =	vst v0  }
0x1a: {  	s22 =	simm.s32 $0x40;
	s23 =	simm.s32 $0x0  }
.LBB2_4:
0x1b: {  	p0 =	sne.s32 s22, $0x1FC0;
	[tilespmem:s23+$0x2F10] =	vst v1;
	s23 =	smov.u32 s22;
	s22 =	sadd.s32 $0x40, s22  }
.Ltmp1:
0x1c: {  	(pc) =	sbr.rel @p0 .LBB2_4-.Ltmp1, $2  }
0x1d: {  	_ =	sdelay $0x2  }
0x1e: {  	s23 =	sshra.s32 s23, $0x2  }
0x1f: {  	[tilespmem:s23+$0x2F10] =	vst v1  }
0x20: {  	[spmem:s4] =	stream.linear.scatter [tilespmem:s13], [sflag:$0x1], $0x800, $0x38;
	[tilespmem:$0x5F10] =	vst v63  }
0x21: {  	_ =	swait.ge [sflag:s12], $0x800  }
0x22: {  	[sflag:s12] =	ssyncset.done $0x0  }
0x23: {  	[sflag:s12] =	ssyncadd.s32 $0xFFFFF800  }
0x24: {  	[spmem:s6] =	stream.linear.scatter [tilespmem:s13], [sflag:$0x1], $0x800, $0x38;
	[tilespmem:$0x5F10] =	vst v63  }
0x25: {  	_ =	swait.ge [sflag:s12], $0x800  }
0x26: {  	[sflag:s12] =	ssyncset.done $0x0  }
0x27: {  	[sflag:s12] =	ssyncadd.s32 $0xFFFFF800  }
0x28: {  	[spmem:s7] =	stream.linear.scatter [tilespmem:s13], [sflag:$0x1], $0x800, $0x38;
	[tilespmem:$0x5F10] =	vst v63  }
0x29: {  	_ =	swait.ge [sflag:s12], $0x800  }
0x2a: {  	[sflag:s12] =	ssyncset.done $0x0  }
0x2b: {  	[sflag:s12] =	ssyncadd.s32 $0xFFFFF800  }
0x2c: {  	[spmem:s8] =	stream.linear.scatter [tilespmem:s13], [sflag:$0x1], $0x800, $0x38;
	[tilespmem:$0x5F10] =	vst v63  }
0x2d: {  	_ =	swait.ge [sflag:s12], $0x800  }
0x2e: {  	[sflag:s12] =	ssyncset.done $0x0  }
0x2f: {  	[sflag:s12] =	ssyncadd.s32 $0xFFFFF800  }
0x30: {  	[spmem:s9] =	stream.linear.scatter [tilespmem:s13], [sflag:$0x1], $0x800, $0x38;
	[tilespmem:$0x5F10] =	vst v63  }
0x31: {  	_ =	swait.ge [sflag:s12], $0x800  }
0x32: {  	[sflag:s12] =	ssyncset.done $0x0  }
0x33: {  	[sflag:s12] =	ssyncadd.s32 $0xFFFFF800  }
0x34: {  	s22 =	simm.s32 $0x0;
	[bflag:$0x0] =	sbarrier.arrive $0xFFFF  }
0x35: {  	[spmem:s2] =	stream.indirect.scatter.add.f32 [tilespmem:s15], [sflag:$0x1], $0x10, s22, s14, $0xb8;
	[tilespmem:$0x5F10] =	vst v63  }
0x36: {  	_ =	swait.ge [sflag:s12], $0x800  }
0x37: {  	s22 =	simm.s32 $0x200;
	[sflag:s12] =	ssyncset.done $0x0  }
.LBB2_6:
0x38: {  	s23 =	sshra.s32 s22, $0x2;
	[sflag:s12] =	ssyncadd.s32 $0xFFFFF800;
	p0 =	sne.s32 s22, $0x9A00  }
0x39: {  	[spmem:s2] =	stream.indirect.scatter.add.f32 [tilespmem:s15], [sflag:$0x1], $0x10, s23, s14, $0xb8;
	[tilespmem:$0x5F10] =	vst v63  }
.Ltmp2:
0x3a: {  	_ = 	snop;
	(pc) =	sbr.rel @p0 .LBB2_6-.Ltmp2, $4  }
0x3b: {  	_ = 	snop  }
0x3c: {  	s22 =	sadd.s32 $0x200, s22  }
0x3d: {  	_ =	swait.ge [sflag:s12], $0x800  }
0x3e: {  	[sflag:s12] =	ssyncset.done $0x0  }
0x3f: {  	[sflag:s12] =	ssyncadd.s32 $0xFFFFF800  }
0x40: {  	[spmem:s2] =	stream.indirect.scatter.add.f32 [tilespmem:s15], [sflag:$0x1], $0x10, s17, s16, $0xb8;
	[tilespmem:$0x5F10] =	vst v63  }
0x41: {  	_ =	swait.ge [sflag:s12], $0x100  }
0x42: {  	s21 =	sadd.s32 $0x1, s21;
	[sflag:s12] =	ssyncset.done $0x0  }
0x43: {  	p0 =	sne.s32 s21, s11;
	[sflag:s12] =	ssyncadd.s32 $0xFFFFFF00  }
.Ltmp3:
0x44: {  	[bflag:$0x0] =	sbarrier.arrive $0xFFFF;
	(pc) =	sbr.rel @p0 .LBB2_1-.Ltmp3, $4  }
0x45: {  	[hbm:s10@s16], [sflag:s18] =	dma.strided [spmem:s19@s20], $0x500, s12, $0x2   }
0x46: {  	_ =	swait.ge [sflag:s12], $0x500  }
0x47: {  	[sflag:s12] =	ssyncset.done $0x0  }
0x48: {  	[sflag:s12] =	ssyncadd.s32 $0xFFFFFB00  }
0x49: {  	_ =	sfence.sel $0x180000  }
0x4a: {  	[bflag:$0x0] =	sbarrier.arrive $0xFFFF  }
0x4b: {  	p0 =	sne.s32 s0, $0x0;
	_ =	strace $0x90000047  }
0x4c: {  	s0 =	sadd.s32 @!p0 $0x100000, s1;
	[bflag:$0x2] =	sbarrier.arrive $0xFFFF  }
0x4d: {  	[sflag:s0] =	ssyncadd.tile.s32 @!p0 $0x1;
	_ =	shalt  }
.Lfunc_end2:
_tile_overlayer_lowered:
.L_overlay_start_2:
0x4e: {  	(tag) =	ssettag $0x2  }
0x4f: {  	s0 =	rddreg [dreg:$0x0];
	s2 =	stileid.u32  }
0x50: {  	s1 =	rddreg [dreg:$0x1];
	p0 =	sne.s32 s2, $0x0  }
0x51: {  	s3 =	rddreg [dreg:$0x2];
	[bflag:$0x3] =	sbarrier.arrive $0xFFFF;
	s2 =	simm.s32 @!p0 $0x1C01  }
0x52: {  	[timem:s3], [sflag:s2] =	dma.local @!p0 [hbm:s0], s1  }
0x53: {  	s0 =	simm.s32 @!p0 $0x1  }
0x54: {  	_ =	swait.ge @!p0 [sflag:s0], s1  }
0x55: {  	s1 =	ssub.s32 @!p0 $0x0, s1;
	[sflag:s0] =	ssyncset.done @!p0 $0x0  }
0x56: {  	[sflag:s0] =	ssyncadd.s32 @!p0 s1  }
0x57: {  	[bflag:$0x3] =	sbarrier.arrive $0xFFFF  }
0x58: {  	_ =	shalt  }

</sc_bundles>
